<compile_context>
chip_gen: v7x
topology: tpu7x:2x2x1
jax: 0.10.2.dev20260603
libtpu: 0.0.44.dev20260713+nightly
codegen_flags: <defaults>
</compile_context>

<pallas_src>
import functools

import jax
import jax.numpy as jnp
from jax import lax
from jax.experimental import pallas as pl
from jax.experimental.pallas import tpu as pltpu
from jax.experimental.pallas import tpu_sc as plsc

N = 10000
E = 320000
D = 128
NCLS = 16

NC = 2
NS = 16
NW = NC * NS
E_PER_W = E // NW
PAD_PER_W = 240
EP_PER_W = E_PER_W + PAD_PER_W
CHUNK = 128
N_CHUNKS = EP_PER_W // CHUNK
NP = 10240
ROWS_PER_TILE = NP // NS
DEGW = 8


NBLK = 2
CPB = N_CHUNKS // NBLK


def _degrees_body(src_hbm, dst_hbm, z8_hbm, zn_hbm, out_hbm,
                  sidx, hist, mbuf, outbuf, hist_sh, sem_i):
    c = lax.axis_index("c")
    s = lax.axis_index("s")
    w = c * NS + s
    row0 = s * ROWS_PER_TILE
    ones16 = jnp.ones((16,), jnp.float32)
    lanes = jax.lax.iota(jnp.int32, 16)
    pltpu.sync_copy(z8_hbm.at[pl.ds(row0, ROWS_PER_TILE)], outbuf)

    for col, e_hbm in ((0, src_hbm), (1, dst_hbm)):
        pltpu.sync_copy(zn_hbm, hist)
        for blk in range(NBLK):
            pltpu.async_copy(e_hbm.at[w, blk], sidx, sem_i)
            pltpu.make_async_copy(e_hbm.at[w, blk], sidx, sem_i).wait()

            def chunk_body(j, carry):
                for g in range(CHUNK // 16):
                    idxv = sidx[j, pl.ds(g * 16, 16)]
                    plsc.addupdate_scatter(hist, [idxv], ones16)
                return carry

            lax.fori_loop(0, CPB, chunk_body, 0)

        pltpu.sync_copy(hist, hist_sh.at[s])
        plsc.subcore_barrier()
        pltpu.sync_copy(hist_sh.at[pl.ds(0, NS), pl.ds(row0, ROWS_PER_TILE)],
                        mbuf)

        def merge_body(m, carry):
            acc = mbuf[0, pl.ds(m * 16, 16)]
            for t in range(1, NS):
                acc = acc + mbuf[t, pl.ds(m * 16, 16)]
            ridx = m * 16 + lanes
            cidx = jnp.full((16,), col, jnp.int32)
            plsc.store_scatter(outbuf, [ridx, cidx], acc)
            return carry

        lax.fori_loop(0, ROWS_PER_TILE // 16, merge_body, 0)
        plsc.subcore_barrier()

    pltpu.sync_copy(outbuf, out_hbm.at[c, pl.ds(row0, ROWS_PER_TILE)])


def _segment_sum_body(h_hbm, src_hbm, dst_hbm, z_hbm, out_hbm,
                      sidx, didx, rows, agg_sh, sem_i):
    c = lax.axis_index("c")
    s = lax.axis_index("s")
    w = c * NS + s
    row0 = s * ROWS_PER_TILE
    pltpu.sync_copy(z_hbm.at[pl.ds(row0, ROWS_PER_TILE)],
                    agg_sh.at[pl.ds(row0, ROWS_PER_TILE)])
    plsc.subcore_barrier()

    def blk_body(blk, carry):
        pltpu.async_copy(src_hbm.at[w, blk], sidx, sem_i)
        pltpu.async_copy(dst_hbm.at[w, blk], didx, sem_i)
        pltpu.make_async_copy(src_hbm.at[w, blk], sidx, sem_i).wait()
        pltpu.make_async_copy(dst_hbm.at[w, blk], didx, sem_i).wait()

        def chunk_body(j, carry2):
            pltpu.async_copy(h_hbm.at[sidx.at[j]], rows, sem_i).wait()
            pltpu.sync_copy(rows, agg_sh.at[didx.at[j]], add=True)
            return carry2

        lax.fori_loop(0, CPB, chunk_body, 0)
        return carry

    lax.fori_loop(0, NBLK, blk_body, 0)
    plsc.subcore_barrier()
    pltpu.sync_copy(agg_sh.at[pl.ds(row0, ROWS_PER_TILE)],
                    out_hbm.at[c, pl.ds(row0, ROWS_PER_TILE)])


@functools.cache
def _sc_kernels():
    mesh = plsc.VectorSubcoreMesh(core_axis_name="c", subcore_axis_name="s")
    degrees = functools.partial(
        pl.kernel,
        mesh=mesh,
        compiler_params=pltpu.CompilerParams(needs_layout_passes=False),
        out_type=jax.ShapeDtypeStruct((NC, NP, DEGW), jnp.float32),
        scratch_types=[
            pltpu.VMEM((CPB, CHUNK), jnp.int32),
            pltpu.VMEM((NP,), jnp.float32),
            pltpu.VMEM((NS, ROWS_PER_TILE), jnp.float32),
            pltpu.VMEM((ROWS_PER_TILE, DEGW), jnp.float32),
            pltpu.VMEM_SHARED((NS, NP), jnp.float32),
            pltpu.SemaphoreType.DMA,
        ],
    )(_degrees_body)
    segment_sum = functools.partial(
        pl.kernel,
        mesh=mesh,
        out_type=jax.ShapeDtypeStruct((NC, NP, D), jnp.float32),
        scratch_types=[
            pltpu.VMEM((CPB, CHUNK), jnp.int32),
            pltpu.VMEM((CPB, CHUNK), jnp.int32),
            pltpu.VMEM((CHUNK, D), jnp.float32),
            pltpu.VMEM_SHARED((NP, D), jnp.float32),
            pltpu.SemaphoreType.DMA,
        ],
    )(_segment_sum_body)
    return degrees, segment_sum



_R = 10000


def _mm1_body(x_ref, w_ref, degp_ref, o_ref):
    d = degp_ref[0] + degp_ref[1]
    so = lax.rsqrt(jnp.maximum(d[:, 0:1], 1.0))
    o_ref[...] = jnp.dot(x_ref[...] * so, w_ref[...],
                         preferred_element_type=jnp.float32)


def _mm2_body(aggp_ref, degp_ref, b_ref, w_ref, o_ref):
    agg = aggp_ref[0] + aggp_ref[1]
    d = degp_ref[0] + degp_ref[1]
    si = lax.rsqrt(jnp.maximum(d[:, 1:2], 1.0))
    so = lax.rsqrt(jnp.maximum(d[:, 0:1], 1.0))
    h = jnp.maximum(agg * si + b_ref[...], 0.0)
    o_ref[...] = jnp.dot(h * so, w_ref[...],
                         preferred_element_type=jnp.float32)


def _final_body(aggp_ref, degp_ref, b_ref, wc_ref, bc_ref,
                logits_ref, hg_ref, acc_ref):
    i = pl.program_id(0)
    agg = aggp_ref[0] + aggp_ref[1]
    d = degp_ref[0] + degp_ref[1]
    si = lax.rsqrt(jnp.maximum(d[:, 1:2], 1.0))
    h = jnp.maximum(agg * si + b_ref[...], 0.0)
    part = jnp.sum(h, axis=0, keepdims=True)

    @pl.when(i == 0)
    def _():
        acc_ref[...] = part

    @pl.when(i != 0)
    def _():
        acc_ref[...] = acc_ref[...] + part

    @pl.when(i == (N // _R) - 1)
    def _():
        hg = acc_ref[...] * (1.0 / N)
        hg_ref[...] = hg
        logits_ref[...] = jnp.dot(hg, wc_ref[...],
                                  preferred_element_type=jnp.float32) + bc_ref[...]


def kernel(features, edge_index, W1, b1, W2, b2, Wc, bc):
    _degrees, _segment_sum = _sc_kernels()
    ar = jnp.arange(NW * PAD_PER_W, dtype=jnp.int32)
    pad_src = (N + ar % PAD_PER_W).reshape(NW, PAD_PER_W)
    pad_dst = (N + (ar * 7 + 3) % PAD_PER_W).reshape(NW, PAD_PER_W)
    srcp = jnp.concatenate([edge_index[0].reshape(NW, E_PER_W), pad_src], 1)
    dstp = jnp.concatenate([edge_index[1].reshape(NW, E_PER_W), pad_dst], 1)
    src4 = srcp.reshape(NW, NBLK, CPB, CHUNK)
    dst4 = dstp.reshape(NW, NBLK, CPB, CHUNK)
    zD = jnp.zeros((NP, D), jnp.float32)
    z8 = jnp.zeros((NP, DEGW), jnp.float32)
    zn = jnp.zeros((NP,), jnp.float32)

    degp = _degrees(src4, dst4, z8, zn)

    grid = (N // _R,)
    mm1 = pl.pallas_call(
        _mm1_body,
        grid=grid,
        in_specs=[
            pl.BlockSpec((_R, D), lambda i: (i, 0)),
            pl.BlockSpec((D, D), lambda i: (0, 0)),
            pl.BlockSpec((NC, _R, DEGW), lambda i: (0, i, 0)),
        ],
        out_specs=pl.BlockSpec((_R, D), lambda i: (i, 0)),
        out_shape=jax.ShapeDtypeStruct((NP, D), jnp.float32),
    )
    h1pre = mm1(features, W1, degp)

    aggp1 = _segment_sum(h1pre, src4, dst4, zD)

    mm2 = pl.pallas_call(
        _mm2_body,
        grid=grid,
        in_specs=[
            pl.BlockSpec((NC, _R, D), lambda i: (0, i, 0)),
            pl.BlockSpec((NC, _R, DEGW), lambda i: (0, i, 0)),
            pl.BlockSpec((1, D), lambda i: (0, 0)),
            pl.BlockSpec((D, D), lambda i: (0, 0)),
        ],
        out_specs=pl.BlockSpec((_R, D), lambda i: (i, 0)),
        out_shape=jax.ShapeDtypeStruct((NP, D), jnp.float32),
    )
    h2pre = mm2(aggp1, degp, b1.reshape(1, D), W2)

    aggp2 = _segment_sum(h2pre, src4, dst4, zD)

    fin = pl.pallas_call(
        _final_body,
        grid=grid,
        in_specs=[
            pl.BlockSpec((NC, _R, D), lambda i: (0, i, 0)),
            pl.BlockSpec((NC, _R, DEGW), lambda i: (0, i, 0)),
            pl.BlockSpec((1, D), lambda i: (0, 0)),
            pl.BlockSpec((D, NCLS), lambda i: (0, 0)),
            pl.BlockSpec((1, NCLS), lambda i: (0, 0)),
        ],
        out_specs=[
            pl.BlockSpec((1, NCLS), lambda i: (0, 0)),
            pl.BlockSpec((1, D), lambda i: (0, 0)),
        ],
        out_shape=[
            jax.ShapeDtypeStruct((1, NCLS), jnp.float32),
            jax.ShapeDtypeStruct((1, D), jnp.float32),
        ],
        scratch_shapes=[pltpu.VMEM((1, D), jnp.float32)],
    )
    logits, hg = fin(aggp2, degp, b2.reshape(1, D), Wc, bc.reshape(1, NCLS))
    return (logits, hg)

# --- scband reference (transcript-rebuilt; emitter-appended) ---
"""Pipeline reference for scband-classifier-36618891166177 (READ-ONLY COPY).

The authoritative reference and input builder live on the scoring server;
editing this copy changes nothing except your own understanding.
"""

import jax, jax.numpy as jnp
import numpy as np

N_NODES = 10000
N_EDGES = 320000
D_IN = 128
D_HID = 128
N_CLASSES = 16


def setup_inputs(seed: int = 0) -> dict:
    key = jax.random.key(seed)
    ks = jax.random.split(key, 8)
    features = jax.random.normal(ks[0], (N_NODES, D_IN), dtype=jnp.float32)
    edge_index = jax.random.randint(ks[1], (2, N_EDGES), 0, N_NODES, dtype=jnp.int32)
    s1 = 1.0 / np.sqrt(D_IN)
    s2 = 1.0 / np.sqrt(D_HID)
    W1 = jax.random.normal(ks[2], (D_IN, D_HID), dtype=jnp.float32) * s1
    b1 = jnp.zeros((D_HID,), dtype=jnp.float32)
    W2 = jax.random.normal(ks[3], (D_HID, D_HID), dtype=jnp.float32) * s2
    b2 = jnp.zeros((D_HID,), dtype=jnp.float32)
    Wc = jax.random.normal(ks[4], (D_HID, N_CLASSES), dtype=jnp.float32) * s2
    bc = jnp.zeros((N_CLASSES,), dtype=jnp.float32)
    return {"features": features, "edge_index": edge_index,
            "W1": W1, "b1": b1, "W2": W2, "b2": b2, "Wc": Wc, "bc": bc}


def _graph_conv(x, W, b, src, dst, n_nodes):
    # DGL GraphConv, norm='both', allow_zero_in_degree=True
    ones = jnp.ones((src.shape[0],), dtype=x.dtype)
    deg_out = jnp.clip(jax.ops.segment_sum(ones, src, num_segments=n_nodes), 1.0)
    deg_in = jnp.clip(jax.ops.segment_sum(ones, dst, num_segments=n_nodes), 1.0)
    h = x * (deg_out ** -0.5)[:, None]
    h = h @ W
    agg = jax.ops.segment_sum(h[src], dst, num_segments=n_nodes)
    rst = agg * (deg_in ** -0.5)[:, None] + b
    return rst


def reference(features, edge_index, W1, b1, W2, b2, Wc, bc):
    src = edge_index[0]
    dst = edge_index[1]
    n = features.shape[0]
    h = features
    # layer 0 (+ relu activation)
    h = jax.nn.relu(_graph_conv(h, W1, b1, src, dst, n))
    # dropout is identity in eval mode
    h = jax.nn.relu(_graph_conv(h, W2, b2, src, dst, n))
    # AvgPooling over a single graph -> [1, n_hidden]
    hg = jnp.mean(h, axis=0, keepdims=True)
    logits = hg @ Wc + bc
    return (logits, hg)

if __name__ == "__main__":
    import jax
    _d = setup_inputs()
    print(jax.jit(kernel)(*tuple(_d.values())))

</pallas_src>

<mosaic_0001>
#map = affine_map<(d0, d1) -> (0, 0, 0, 0)>
#map1 = affine_map<(d0, d1) -> (0, 0)>
#map2 = affine_map<(d0, d1) -> (0)>
#map3 = affine_map<(d0, d1) -> (0, 0, 0)>
module attributes {stable_mosaic.version = 14 : i64} {
  func.func @_degrees_body(%arg0: i32, %arg1: i32, %arg2: memref<32x2x40x128xi32, #tpu.memory_space<hbm>>, %arg3: memref<32x2x40x128xi32, #tpu.memory_space<hbm>>, %arg4: memref<10240x8xf32, #tpu.memory_space<hbm>>, %arg5: memref<10240xf32, #tpu.memory_space<hbm>>, %arg6: memref<2x10240x8xf32, #tpu.memory_space<hbm>>, %arg7: memref<40x128xi32, #tpu.memory_space<vmem>>, %arg8: memref<10240xf32, #tpu.memory_space<vmem>>, %arg9: memref<16x640xf32, #tpu.memory_space<vmem>>, %arg10: memref<640x8xf32, #tpu.memory_space<vmem>>, %arg11: memref<16x10240xf32, #tpu.memory_space<vmem_shared>>, %arg12: memref<!tpu.dma_semaphore, #tpu.memory_space<semaphore_mem>>) attributes {dimension_semantics = [#tpu.dimension_semantics<core_parallel>, #tpu.dimension_semantics<subcore_parallel>], iteration_bounds = array<i64: 2, 16>, scalar_prefetch = 0 : i64, scratch_operands = 6 : i64, tpu.core_type = #tpu.core_type<sc_vector_subcore>, window_params = [{transform_indices = #map}, {transform_indices = #map}, {transform_indices = #map1}, {transform_indices = #map2}, {transform_indices = #map3}]} {
    %mul3A = arith.constant 16 : i32
    %mul3A_0 = arith.muli %arg0, %mul3A : i32
    %add3A = arith.addi %mul3A_0, %arg1 : i32
    %mul3A_1 = arith.constant 640 : i32
    %mul3A_2 = arith.muli %arg1, %mul3A_1 : i32
    %broadcast_in_dim3A = arith.constant 1.000000e+00 : f32
    %broadcast_in_dim3A_3 = vector.broadcast %broadcast_in_dim3A : f32 to vector<16xf32>
    %iota3A = tpu.iota {dimensions = array<i32: 0>} : vector<16xi32>
    "tpu.region"() ({
      %run_scoped3A = tpu.sem_alloc : memref<!tpu.dma_semaphore, #tpu.memory_space<semaphore_mem>>
      %dma_start3A_112 = arith.constant 0 : i32
      %dma_start3A_113 = tpu.memref_slice %arg4[%mul3A_2, %dma_start3A_112] : memref<10240x8xf32, #tpu.memory_space<hbm>> -> memref<640x8xf32, #tpu.memory_space<hbm>>
      %dma_start3A_114 = arith.constant 0 : i32
      %dma_start3A_115 = tpu.memref_slice %arg4[%mul3A_2, %dma_start3A_114] : memref<10240x8xf32, #tpu.memory_space<hbm>> -> memref<640x8xf32, #tpu.memory_space<hbm>>
      tpu.enqueue_dma source(%dma_start3A_115 : memref<640x8xf32, #tpu.memory_space<hbm>>) target(%arg10 : memref<640x8xf32, #tpu.memory_space<vmem>>) target_semaphore(%run_scoped3A : memref<!tpu.dma_semaphore, #tpu.memory_space<semaphore_mem>>)
      %dma_wait3A_116 = arith.constant 0 : i32
      %dma_wait3A_117 = tpu.memref_slice %arg4[%mul3A_2, %dma_wait3A_116] : memref<10240x8xf32, #tpu.memory_space<hbm>> -> memref<640x8xf32, #tpu.memory_space<hbm>>
      %dma_wait3A_118 = arith.constant 0 : i32
      %dma_wait3A_119 = tpu.memref_slice %arg4[%mul3A_2, %dma_wait3A_118] : memref<10240x8xf32, #tpu.memory_space<hbm>> -> memref<640x8xf32, #tpu.memory_space<hbm>>
      tpu.wait_dma2 semaphore(%run_scoped3A : memref<!tpu.dma_semaphore, #tpu.memory_space<semaphore_mem>>) src(%dma_wait3A_119 : memref<640x8xf32, #tpu.memory_space<hbm>>) dst(%arg10 : memref<640x8xf32, #tpu.memory_space<vmem>>)
      tpu.yield
    }) : () -> ()
    "tpu.region"() ({
      %run_scoped3A = tpu.sem_alloc : memref<!tpu.dma_semaphore, #tpu.memory_space<semaphore_mem>>
      tpu.enqueue_dma source(%arg5 : memref<10240xf32, #tpu.memory_space<hbm>>) target(%arg8 : memref<10240xf32, #tpu.memory_space<vmem>>) target_semaphore(%run_scoped3A : memref<!tpu.dma_semaphore, #tpu.memory_space<semaphore_mem>>)
      tpu.wait_dma2 semaphore(%run_scoped3A : memref<!tpu.dma_semaphore, #tpu.memory_space<semaphore_mem>>) src(%arg5 : memref<10240xf32, #tpu.memory_space<hbm>>) dst(%arg8 : memref<10240xf32, #tpu.memory_space<vmem>>)
      tpu.yield
    }) : () -> ()
    %dma_start3A = arith.constant 0 : i32
    %dma_start3A_4 = arith.constant 0 : i32
    %dma_start3A_5 = arith.constant 0 : i32
    %dma_start3A_6 = tpu.memref_slice %arg2[%add3A, %dma_start3A, %dma_start3A_4, %dma_start3A_5] : memref<32x2x40x128xi32, #tpu.memory_space<hbm>> -> memref<1x1x40x128xi32, #tpu.memory_space<hbm>>
    %dma_start3A_7 = tpu.memref_squeeze %dma_start3A_6 : memref<1x1x40x128xi32, #tpu.memory_space<hbm>> -> memref<40x128xi32, #tpu.memory_space<hbm>>
    %dma_start3A_8 = arith.constant 0 : i32
    %dma_start3A_9 = arith.constant 0 : i32
    %dma_start3A_10 = tpu.memref_slice %arg2[%add3A, %dma_start3A, %dma_start3A_8, %dma_start3A_9] : memref<32x2x40x128xi32, #tpu.memory_space<hbm>> -> memref<1x1x40x128xi32, #tpu.memory_space<hbm>>
    %dma_start3A_11 = tpu.memref_squeeze %dma_start3A_10 : memref<1x1x40x128xi32, #tpu.memory_space<hbm>> -> memref<40x128xi32, #tpu.memory_space<hbm>>
    tpu.enqueue_dma source(%dma_start3A_11 : memref<40x128xi32, #tpu.memory_space<hbm>>) target(%arg7 : memref<40x128xi32, #tpu.memory_space<vmem>>) target_semaphore(%arg12 : memref<!tpu.dma_semaphore, #tpu.memory_space<semaphore_mem>>)
    %dma_wait3A = arith.constant 0 : i32
    %dma_wait3A_12 = arith.constant 0 : i32
    %dma_wait3A_13 = arith.constant 0 : i32
    %dma_wait3A_14 = tpu.memref_slice %arg2[%add3A, %dma_wait3A, %dma_wait3A_12, %dma_wait3A_13] : memref<32x2x40x128xi32, #tpu.memory_space<hbm>> -> memref<1x1x40x128xi32, #tpu.memory_space<hbm>>
    %dma_wait3A_15 = tpu.memref_squeeze %dma_wait3A_14 : memref<1x1x40x128xi32, #tpu.memory_space<hbm>> -> memref<40x128xi32, #tpu.memory_space<hbm>>
    %dma_wait3A_16 = arith.constant 0 : i32
    %dma_wait3A_17 = arith.constant 0 : i32
    %dma_wait3A_18 = tpu.memref_slice %arg2[%add3A, %dma_wait3A, %dma_wait3A_16, %dma_wait3A_17] : memref<32x2x40x128xi32, #tpu.memory_space<hbm>> -> memref<1x1x40x128xi32, #tpu.memory_space<hbm>>
    %dma_wait3A_19 = tpu.memref_squeeze %dma_wait3A_18 : memref<1x1x40x128xi32, #tpu.memory_space<hbm>> -> memref<40x128xi32, #tpu.memory_space<hbm>>
    tpu.wait_dma2 semaphore(%arg12 : memref<!tpu.dma_semaphore, #tpu.memory_space<semaphore_mem>>) src(%dma_wait3A_19 : memref<40x128xi32, #tpu.memory_space<hbm>>) dst(%arg7 : memref<40x128xi32, #tpu.memory_space<vmem>>)
    %scan3A = arith.constant 0 : i32
    %scan3A_20 = arith.constant 0 : i32
    %scan3A_21 = arith.constant 40 : i32
    %scan3A_22 = arith.addi %scan3A_20, %scan3A_21 : i32
    %scan3A_23 = arith.constant 1 : i32
    scf.for %scan3A_112 = %scan3A_20 to %scan3A_22 step %scan3A_23  : i32 {
      %get3A = arith.index_cast %scan3A_112 : i32 to index
      %get3A_113 = arith.constant 0 : index
      %get3A_114 = tpu.vector_load %arg7[%get3A, %get3A_113] {strides = array<i32>} : memref<40x128xi32, #tpu.memory_space<vmem>>, vector<16xi32>,
      tpu.vector_store_idx %arg8[%get3A_114], %broadcast_in_dim3A_3 {add = true} : memref<10240xf32, #tpu.memory_space<vmem>>[vector<16xi32>], vector<16xf32>,
      %get3A_115 = arith.index_cast %scan3A_112 : i32 to index
      %get3A_116 = arith.constant 16 : index
      %get3A_117 = tpu.vector_load %arg7[%get3A_115, %get3A_116] {strides = array<i32>} : memref<40x128xi32, #tpu.memory_space<vmem>>, vector<16xi32>,
      tpu.vector_store_idx %arg8[%get3A_117], %broadcast_in_dim3A_3 {add = true} : memref<10240xf32, #tpu.memory_space<vmem>>[vector<16xi32>], vector<16xf32>,
      %get3A_118 = arith.index_cast %scan3A_112 : i32 to index
      %get3A_119 = arith.constant 32 : index
      %get3A_120 = tpu.vector_load %arg7[%get3A_118, %get3A_119] {strides = array<i32>} : memref<40x128xi32, #tpu.memory_space<vmem>>, vector<16xi32>,
      tpu.vector_store_idx %arg8[%get3A_120], %broadcast_in_dim3A_3 {add = true} : memref<10240xf32, #tpu.memory_space<vmem>>[vector<16xi32>], vector<16xf32>,
      %get3A_121 = arith.index_cast %scan3A_112 : i32 to index
      %get3A_122 = arith.constant 48 : index
      %get3A_123 = tpu.vector_load %arg7[%get3A_121, %get3A_122] {strides = array<i32>} : memref<40x128xi32, #tpu.memory_space<vmem>>, vector<16xi32>,
      tpu.vector_store_idx %arg8[%get3A_123], %broadcast_in_dim3A_3 {add = true} : memref<10240xf32, #tpu.memory_space<vmem>>[vector<16xi32>], vector<16xf32>,
      %get3A_124 = arith.index_cast %scan3A_112 : i32 to index
      %get3A_125 = arith.constant 64 : index
      %get3A_126 = tpu.vector_load %arg7[%get3A_124, %get3A_125] {strides = array<i32>} : memref<40x128xi32, #tpu.memory_space<vmem>>, vector<16xi32>,
      tpu.vector_store_idx %arg8[%get3A_126], %broadcast_in_dim3A_3 {add = true} : memref<10240xf32, #tpu.memory_space<vmem>>[vector<16xi32>], vector<16xf32>,
      %get3A_127 = arith.index_cast %scan3A_112 : i32 to index
      %get3A_128 = arith.constant 80 : index
      %get3A_129 = tpu.vector_load %arg7[%get3A_127, %get3A_128] {strides = array<i32>} : memref<40x128xi32, #tpu.memory_space<vmem>>, vector<16xi32>,
      tpu.vector_store_idx %arg8[%get3A_129], %broadcast_in_dim3A_3 {add = true} : memref<10240xf32, #tpu.memory_space<vmem>>[vector<16xi32>], vector<16xf32>,
      %get3A_130 = arith.index_cast %scan3A_112 : i32 to index
      %get3A_131 = arith.constant 96 : index
      %get3A_132 = tpu.vector_load %arg7[%get3A_130, %get3A_131] {strides = array<i32>} : memref<40x128xi32, #tpu.memory_space<vmem>>, vector<16xi32>,
      tpu.vector_store_idx %arg8[%get3A_132], %broadcast_in_dim3A_3 {add = true} : memref<10240xf32, #tpu.memory_space<vmem>>[vector<16xi32>], vector<16xf32>,
      %get3A_133 = arith.index_cast %scan3A_112 : i32 to index
      %get3A_134 = arith.constant 112 : index
      %get3A_135 = tpu.vector_load %arg7[%get3A_133, %get3A_134] {strides = array<i32>} : memref<40x128xi32, #tpu.memory_space<vmem>>, vector<16xi32>,
      tpu.vector_store_idx %arg8[%get3A_135], %broadcast_in_dim3A_3 {add = true} : memref<10240xf32, #tpu.memory_space<vmem>>[vector<16xi32>], vector<16xf32>,
    }
    %scan3A_24 = arith.constant 40 : i32
    %dma_start3A_25 = arith.constant 1 : i32
    %dma_start3A_26 = arith.constant 0 : i32
    %dma_start3A_27 = arith.constant 0 : i32
    %dma_start3A_28 = tpu.memref_slice %arg2[%add3A, %dma_start3A_25, %dma_start3A_26, %dma_start3A_27] : memref<32x2x40x128xi32, #tpu.memory_space<hbm>> -> memref<1x1x40x128xi32, #tpu.memory_space<hbm>>
    %dma_start3A_29 = tpu.memref_squeeze %dma_start3A_28 : memref<1x1x40x128xi32, #tpu.memory_space<hbm>> -> memref<40x128xi32, #tpu.memory_space<hbm>>
    %dma_start3A_30 = arith.constant 0 : i32
    %dma_start3A_31 = arith.constant 0 : i32
    %dma_start3A_32 = tpu.memref_slice %arg2[%add3A, %dma_start3A_25, %dma_start3A_30, %dma_start3A_31] : memref<32x2x40x128xi32, #tpu.memory_space<hbm>> -> memref<1x1x40x128xi32, #tpu.memory_space<hbm>>
    %dma_start3A_33 = tpu.memref_squeeze %dma_start3A_32 : memref<1x1x40x128xi32, #tpu.memory_space<hbm>> -> memref<40x128xi32, #tpu.memory_space<hbm>>
    tpu.enqueue_dma source(%dma_start3A_33 : memref<40x128xi32, #tpu.memory_space<hbm>>) target(%arg7 : memref<40x128xi32, #tpu.memory_space<vmem>>) target_semaphore(%arg12 : memref<!tpu.dma_semaphore, #tpu.memory_space<semaphore_mem>>)
    %dma_wait3A_34 = arith.constant 1 : i32
    %dma_wait3A_35 = arith.constant 0 : i32
    %dma_wait3A_36 = arith.constant 0 : i32
    %dma_wait3A_37 = tpu.memref_slice %arg2[%add3A, %dma_wait3A_34, %dma_wait3A_35, %dma_wait3A_36] : memref<32x2x40x128xi32, #tpu.memory_space<hbm>> -> memref<1x1x40x128xi32, #tpu.memory_space<hbm>>
    %dma_wait3A_38 = tpu.memref_squeeze %dma_wait3A_37 : memref<1x1x40x128xi32, #tpu.memory_space<hbm>> -> memref<40x128xi32, #tpu.memory_space<hbm>>
    %dma_wait3A_39 = arith.constant 0 : i32
    %dma_wait3A_40 = arith.constant 0 : i32
    %dma_wait3A_41 = tpu.memref_slice %arg2[%add3A, %dma_wait3A_34, %dma_wait3A_39, %dma_wait3A_40] : memref<32x2x40x128xi32, #tpu.memory_space<hbm>> -> memref<1x1x40x128xi32, #tpu.memory_space<hbm>>
    %dma_wait3A_42 = tpu.memref_squeeze %dma_wait3A_41 : memref<1x1x40x128xi32, #tpu.memory_space<hbm>> -> memref<40x128xi32, #tpu.memory_space<hbm>>
    tpu.wait_dma2 semaphore(%arg12 : memref<!tpu.dma_semaphore, #tpu.memory_space<semaphore_mem>>) src(%dma_wait3A_42 : memref<40x128xi32, #tpu.memory_space<hbm>>) dst(%arg7 : memref<40x128xi32, #tpu.memory_space<vmem>>)
    %scan3A_43 = arith.constant 0 : i32
    %scan3A_44 = arith.constant 0 : i32
    %scan3A_45 = arith.constant 40 : i32
    %scan3A_46 = arith.addi %scan3A_44, %scan3A_45 : i32
    %scan3A_47 = arith.constant 1 : i32
    scf.for %scan3A_112 = %scan3A_44 to %scan3A_46 step %scan3A_47  : i32 {
      %get3A = arith.index_cast %scan3A_112 : i32 to index
      %get3A_113 = arith.constant 0 : index
      %get3A_114 = tpu.vector_load %arg7[%get3A, %get3A_113] {strides = array<i32>} : memref<40x128xi32, #tpu.memory_space<vmem>>, vector<16xi32>,
      tpu.vector_store_idx %arg8[%get3A_114], %broadcast_in_dim3A_3 {add = true} : memref<10240xf32, #tpu.memory_space<vmem>>[vector<16xi32>], vector<16xf32>,
      %get3A_115 = arith.index_cast %scan3A_112 : i32 to index
      %get3A_116 = arith.constant 16 : index
      %get3A_117 = tpu.vector_load %arg7[%get3A_115, %get3A_116] {strides = array<i32>} : memref<40x128xi32, #tpu.memory_space<vmem>>, vector<16xi32>,
      tpu.vector_store_idx %arg8[%get3A_117], %broadcast_in_dim3A_3 {add = true} : memref<10240xf32, #tpu.memory_space<vmem>>[vector<16xi32>], vector<16xf32>,
      %get3A_118 = arith.index_cast %scan3A_112 : i32 to index
      %get3A_119 = arith.constant 32 : index
      %get3A_120 = tpu.vector_load %arg7[%get3A_118, %get3A_119] {strides = array<i32>} : memref<40x128xi32, #tpu.memory_space<vmem>>, vector<16xi32>,
      tpu.vector_store_idx %arg8[%get3A_120], %broadcast_in_dim3A_3 {add = true} : memref<10240xf32, #tpu.memory_space<vmem>>[vector<16xi32>], vector<16xf32>,
      %get3A_121 = arith.index_cast %scan3A_112 : i32 to index
      %get3A_122 = arith.constant 48 : index
      %get3A_123 = tpu.vector_load %arg7[%get3A_121, %get3A_122] {strides = array<i32>} : memref<40x128xi32, #tpu.memory_space<vmem>>, vector<16xi32>,
      tpu.vector_store_idx %arg8[%get3A_123], %broadcast_in_dim3A_3 {add = true} : memref<10240xf32, #tpu.memory_space<vmem>>[vector<16xi32>], vector<16xf32>,
      %get3A_124 = arith.index_cast %scan3A_112 : i32 to index
      %get3A_125 = arith.constant 64 : index
      %get3A_126 = tpu.vector_load %arg7[%get3A_124, %get3A_125] {strides = array<i32>} : memref<40x128xi32, #tpu.memory_space<vmem>>, vector<16xi32>,
      tpu.vector_store_idx %arg8[%get3A_126], %broadcast_in_dim3A_3 {add = true} : memref<10240xf32, #tpu.memory_space<vmem>>[vector<16xi32>], vector<16xf32>,
      %get3A_127 = arith.index_cast %scan3A_112 : i32 to index
      %get3A_128 = arith.constant 80 : index
      %get3A_129 = tpu.vector_load %arg7[%get3A_127, %get3A_128] {strides = array<i32>} : memref<40x128xi32, #tpu.memory_space<vmem>>, vector<16xi32>,
      tpu.vector_store_idx %arg8[%get3A_129], %broadcast_in_dim3A_3 {add = true} : memref<10240xf32, #tpu.memory_space<vmem>>[vector<16xi32>], vector<16xf32>,
      %get3A_130 = arith.index_cast %scan3A_112 : i32 to index
      %get3A_131 = arith.constant 96 : index
      %get3A_132 = tpu.vector_load %arg7[%get3A_130, %get3A_131] {strides = array<i32>} : memref<40x128xi32, #tpu.memory_space<vmem>>, vector<16xi32>,
      tpu.vector_store_idx %arg8[%get3A_132], %broadcast_in_dim3A_3 {add = true} : memref<10240xf32, #tpu.memory_space<vmem>>[vector<16xi32>], vector<16xf32>,
      %get3A_133 = arith.index_cast %scan3A_112 : i32 to index
      %get3A_134 = arith.constant 112 : index
      %get3A_135 = tpu.vector_load %arg7[%get3A_133, %get3A_134] {strides = array<i32>} : memref<40x128xi32, #tpu.memory_space<vmem>>, vector<16xi32>,
      tpu.vector_store_idx %arg8[%get3A_135], %broadcast_in_dim3A_3 {add = true} : memref<10240xf32, #tpu.memory_space<vmem>>[vector<16xi32>], vector<16xf32>,
    }
    %scan3A_48 = arith.constant 40 : i32
    "tpu.region"() ({
      %run_scoped3A = tpu.sem_alloc : memref<!tpu.dma_semaphore, #tpu.memory_space<semaphore_mem>>
      %dma_start3A_112 = arith.constant 0 : i32
      %dma_start3A_113 = tpu.memref_slice %arg11[%arg1, %dma_start3A_112] : memref<16x10240xf32, #tpu.memory_space<vmem_shared>> -> memref<1x10240xf32, #tpu.memory_space<vmem_shared>>
      %dma_start3A_114 = tpu.memref_squeeze %dma_start3A_113 : memref<1x10240xf32, #tpu.memory_space<vmem_shared>> -> memref<10240xf32, #tpu.memory_space<vmem_shared>>
      %dma_start3A_115 = arith.constant 0 : i32
      %dma_start3A_116 = tpu.memref_slice %arg11[%arg1, %dma_start3A_115] : memref<16x10240xf32, #tpu.memory_space<vmem_shared>> -> memref<1x10240xf32, #tpu.memory_space<vmem_shared>>
      %dma_start3A_117 = tpu.memref_squeeze %dma_start3A_116 : memref<1x10240xf32, #tpu.memory_space<vmem_shared>> -> memref<10240xf32, #tpu.memory_space<vmem_shared>>
      tpu.enqueue_dma source(%arg8 : memref<10240xf32, #tpu.memory_space<vmem>>) target(%dma_start3A_117 : memref<10240xf32, #tpu.memory_space<vmem_shared>>) target_semaphore(%run_scoped3A : memref<!tpu.dma_semaphore, #tpu.memory_space<semaphore_mem>>)
      %dma_wait3A_118 = arith.constant 0 : i32
      %dma_wait3A_119 = tpu.memref_slice %arg11[%arg1, %dma_wait3A_118] : memref<16x10240xf32, #tpu.memory_space<vmem_shared>> -> memref<1x10240xf32, #tpu.memory_space<vmem_shared>>
      %dma_wait3A_120 = tpu.memref_squeeze %dma_wait3A_119 : memref<1x10240xf32, #tpu.memory_space<vmem_shared>> -> memref<10240xf32, #tpu.memory_space<vmem_shared>>
      %dma_wait3A_121 = arith.constant 0 : i32
      %dma_wait3A_122 = tpu.memref_slice %arg11[%arg1, %dma_wait3A_121] : memref<16x10240xf32, #tpu.memory_space<vmem_shared>> -> memref<1x10240xf32, #tpu.memory_space<vmem_shared>>
      %dma_wait3A_123 = tpu.memref_squeeze %dma_wait3A_122 : memref<1x10240xf32, #tpu.memory_space<vmem_shared>> -> memref<10240xf32, #tpu.memory_space<vmem_shared>>
      tpu.wait_dma2 semaphore(%run_scoped3A : memref<!tpu.dma_semaphore, #tpu.memory_space<semaphore_mem>>) src(%arg8 : memref<10240xf32, #tpu.memory_space<vmem>>) dst(%dma_wait3A_123 : memref<10240xf32, #tpu.memory_space<vmem_shared>>)
      tpu.yield
    }) : () -> ()
    %barrier3A = arith.constant 0 : index
    tpu.barrier barrier_id(%barrier3A)
    "tpu.region"() ({
      %run_scoped3A = tpu.sem_alloc : memref<!tpu.dma_semaphore, #tpu.memory_space<semaphore_mem>>
      %dma_start3A_112 = arith.constant 0 : i32
      %dma_start3A_113 = tpu.memref_slice %arg11[%dma_start3A_112, %mul3A_2] : memref<16x10240xf32, #tpu.memory_space<vmem_shared>> -> memref<16x640xf32, #tpu.memory_space<vmem_shared>>
      %dma_start3A_114 = arith.constant 0 : i32
      %dma_start3A_115 = tpu.memref_slice %arg11[%dma_start3A_114, %mul3A_2] : memref<16x10240xf32, #tpu.memory_space<vmem_shared>> -> memref<16x640xf32, #tpu.memory_space<vmem_shared>>
      tpu.enqueue_dma source(%dma_start3A_115 : memref<16x640xf32, #tpu.memory_space<vmem_shared>>) target(%arg9 : memref<16x640xf32, #tpu.memory_space<vmem>>) target_semaphore(%run_scoped3A : memref<!tpu.dma_semaphore, #tpu.memory_space<semaphore_mem>>)
      %dma_wait3A_116 = arith.constant 0 : i32
      %dma_wait3A_117 = tpu.memref_slice %arg11[%dma_wait3A_116, %mul3A_2] : memref<16x10240xf32, #tpu.memory_space<vmem_shared>> -> memref<16x640xf32, #tpu.memory_space<vmem_shared>>
      %dma_wait3A_118 = arith.constant 0 : i32
      %dma_wait3A_119 = tpu.memref_slice %arg11[%dma_wait3A_118, %mul3A_2] : memref<16x10240xf32, #tpu.memory_space<vmem_shared>> -> memref<16x640xf32, #tpu.memory_space<vmem_shared>>
      tpu.wait_dma2 semaphore(%run_scoped3A : memref<!tpu.dma_semaphore, #tpu.memory_space<semaphore_mem>>) src(%dma_wait3A_119 : memref<16x640xf32, #tpu.memory_space<vmem_shared>>) dst(%arg9 : memref<16x640xf32, #tpu.memory_space<vmem>>)
      tpu.yield
    }) : () -> ()
    %scan3A_49 = arith.constant 0 : i32
    %scan3A_50 = arith.constant 0 : i32
    %scan3A_51 = arith.constant 40 : i32
    %scan3A_52 = arith.addi %scan3A_50, %scan3A_51 : i32
    %scan3A_53 = arith.constant 1 : i32
    scf.for %scan3A_112 = %scan3A_50 to %scan3A_52 step %scan3A_53  : i32 {
      %mul3A_113 = arith.constant 16 : i32
      %mul3A_114 = arith.muli %scan3A_112, %mul3A_113 : i32
      %get3A = arith.constant 0 : i32
      %get3A_115 = arith.index_cast %get3A : i32 to index
      %get3A_116 = arith.index_cast %mul3A_114 : i32 to index
      %get3A_117 = tpu.vector_load %arg9[%get3A_115, %get3A_116] {strides = array<i32>} : memref<16x640xf32, #tpu.memory_space<vmem>>, vector<16xf32>,
      %mul3A_118 = arith.constant 16 : i32
      %mul3A_119 = arith.muli %scan3A_112, %mul3A_118 : i32
      %get3A_120 = arith.constant 1 : i32
      %get3A_121 = arith.index_cast %get3A_120 : i32 to index
      %get3A_122 = arith.index_cast %mul3A_119 : i32 to index
      %get3A_123 = tpu.vector_load %arg9[%get3A_121, %get3A_122] {strides = array<i32>} : memref<16x640xf32, #tpu.memory_space<vmem>>, vector<16xf32>,
      %add3A_124 = arith.addf %get3A_117, %get3A_123 : vector<16xf32>
      %mul3A_125 = arith.constant 16 : i32
      %mul3A_126 = arith.muli %scan3A_112, %mul3A_125 : i32
      %get3A_127 = arith.constant 2 : i32
      %get3A_128 = arith.index_cast %get3A_127 : i32 to index
      %get3A_129 = arith.index_cast %mul3A_126 : i32 to index
      %get3A_130 = tpu.vector_load %arg9[%get3A_128, %get3A_129] {strides = array<i32>} : memref<16x640xf32, #tpu.memory_space<vmem>>, vector<16xf32>,
      %add3A_131 = arith.addf %add3A_124, %get3A_130 : vector<16xf32>
      %mul3A_132 = arith.constant 16 : i32
      %mul3A_133 = arith.muli %scan3A_112, %mul3A_132 : i32
      %get3A_134 = arith.constant 3 : i32
      %get3A_135 = arith.index_cast %get3A_134 : i32 to index
      %get3A_136 = arith.index_cast %mul3A_133 : i32 to index
      %get3A_137 = tpu.vector_load %arg9[%get3A_135, %get3A_136] {strides = array<i32>} : memref<16x640xf32, #tpu.memory_space<vmem>>, vector<16xf32>,
      %add3A_138 = arith.addf %add3A_131, %get3A_137 : vector<16xf32>
      %mul3A_139 = arith.constant 16 : i32
      %mul3A_140 = arith.muli %scan3A_112, %mul3A_139 : i32
      %get3A_141 = arith.constant 4 : i32
      %get3A_142 = arith.index_cast %get3A_141 : i32 to index
      %get3A_143 = arith.index_cast %mul3A_140 : i32 to index
      %get3A_144 = tpu.vector_load %arg9[%get3A_142, %get3A_143] {strides = array<i32>} : memref<16x640xf32, #tpu.memory_space<vmem>>, vector<16xf32>,
      %add3A_145 = arith.addf %add3A_138, %get3A_144 : vector<16xf32>
      %mul3A_146 = arith.constant 16 : i32
      %mul3A_147 = arith.muli %scan3A_112, %mul3A_146 : i32
      %get3A_148 = arith.constant 5 : i32
      %get3A_149 = arith.index_cast %get3A_148 : i32 to index
      %get3A_150 = arith.index_cast %mul3A_147 : i32 to index
      %get3A_151 = tpu.vector_load %arg9[%get3A_149, %get3A_150] {strides = array<i32>} : memref<16x640xf32, #tpu.memory_space<vmem>>, vector<16xf32>,
      %add3A_152 = arith.addf %add3A_145, %get3A_151 : vector<16xf32>
      %mul3A_153 = arith.constant 16 : i32
      %mul3A_154 = arith.muli %scan3A_112, %mul3A_153 : i32
      %get3A_155 = arith.constant 6 : i32
      %get3A_156 = arith.index_cast %get3A_155 : i32 to index
      %get3A_157 = arith.index_cast %mul3A_154 : i32 to index
      %get3A_158 = tpu.vector_load %arg9[%get3A_156, %get3A_157] {strides = array<i32>} : memref<16x640xf32, #tpu.memory_space<vmem>>, vector<16xf32>,
      %add3A_159 = arith.addf %add3A_152, %get3A_158 : vector<16xf32>
      %mul3A_160 = arith.constant 16 : i32
      %mul3A_161 = arith.muli %scan3A_112, %mul3A_160 : i32
      %get3A_162 = arith.constant 7 : i32
      %get3A_163 = arith.index_cast %get3A_162 : i32 to index
      %get3A_164 = arith.index_cast %mul3A_161 : i32 to index
      %get3A_165 = tpu.vector_load %arg9[%get3A_163, %get3A_164] {strides = array<i32>} : memref<16x640xf32, #tpu.memory_space<vmem>>, vector<16xf32>,
      %add3A_166 = arith.addf %add3A_159, %get3A_165 : vector<16xf32>
      %mul3A_167 = arith.constant 16 : i32
      %mul3A_168 = arith.muli %scan3A_112, %mul3A_167 : i32
      %get3A_169 = arith.constant 8 : i32
      %get3A_170 = arith.index_cast %get3A_169 : i32 to index
      %get3A_171 = arith.index_cast %mul3A_168 : i32 to index
      %get3A_172 = tpu.vector_load %arg9[%get3A_170, %get3A_171] {strides = array<i32>} : memref<16x640xf32, #tpu.memory_space<vmem>>, vector<16xf32>,
      %add3A_173 = arith.addf %add3A_166, %get3A_172 : vector<16xf32>
      %mul3A_174 = arith.constant 16 : i32
      %mul3A_175 = arith.muli %scan3A_112, %mul3A_174 : i32
      %get3A_176 = arith.constant 9 : i32
      %get3A_177 = arith.index_cast %get3A_176 : i32 to index
      %get3A_178 = arith.index_cast %mul3A_175 : i32 to index
      %get3A_179 = tpu.vector_load %arg9[%get3A_177, %get3A_178] {strides = array<i32>} : memref<16x640xf32, #tpu.memory_space<vmem>>, vector<16xf32>,
      %add3A_180 = arith.addf %add3A_173, %get3A_179 : vector<16xf32>
      %mul3A_181 = arith.constant 16 : i32
      %mul3A_182 = arith.muli %scan3A_112, %mul3A_181 : i32
      %get3A_183 = arith.constant 10 : i32
      %get3A_184 = arith.index_cast %get3A_183 : i32 to index
      %get3A_185 = arith.index_cast %mul3A_182 : i32 to index
      %get3A_186 = tpu.vector_load %arg9[%get3A_184, %get3A_185] {strides = array<i32>} : memref<16x640xf32, #tpu.memory_space<vmem>>, vector<16xf32>,
      %add3A_187 = arith.addf %add3A_180, %get3A_186 : vector<16xf32>
      %mul3A_188 = arith.constant 16 : i32
      %mul3A_189 = arith.muli %scan3A_112, %mul3A_188 : i32
      %get3A_190 = arith.constant 11 : i32
      %get3A_191 = arith.index_cast %get3A_190 : i32 to index
      %get3A_192 = arith.index_cast %mul3A_189 : i32 to index
      %get3A_193 = tpu.vector_load %arg9[%get3A_191, %get3A_192] {strides = array<i32>} : memref<16x640xf32, #tpu.memory_space<vmem>>, vector<16xf32>,
      %add3A_194 = arith.addf %add3A_187, %get3A_193 : vector<16xf32>
      %mul3A_195 = arith.constant 16 : i32
      %mul3A_196 = arith.muli %scan3A_112, %mul3A_195 : i32
      %get3A_197 = arith.constant 12 : i32
      %get3A_198 = arith.index_cast %get3A_197 : i32 to index
      %get3A_199 = arith.index_cast %mul3A_196 : i32 to index
      %get3A_200 = tpu.vector_load %arg9[%get3A_198, %get3A_199] {strides = array<i32>} : memref<16x640xf32, #tpu.memory_space<vmem>>, vector<16xf32>,
      %add3A_201 = arith.addf %add3A_194, %get3A_200 : vector<16xf32>
      %mul3A_202 = arith.constant 16 : i32
      %mul3A_203 = arith.muli %scan3A_112, %mul3A_202 : i32
      %get3A_204 = arith.constant 13 : i32
      %get3A_205 = arith.index_cast %get3A_204 : i32 to index
      %get3A_206 = arith.index_cast %mul3A_203 : i32 to index
      %get3A_207 = tpu.vector_load %arg9[%get3A_205, %get3A_206] {strides = array<i32>} : memref<16x640xf32, #tpu.memory_space<vmem>>, vector<16xf32>,
      %add3A_208 = arith.addf %add3A_201, %get3A_207 : vector<16xf32>
      %mul3A_209 = arith.constant 16 : i32
      %mul3A_210 = arith.muli %scan3A_112, %mul3A_209 : i32
      %get3A_211 = arith.constant 14 : i32
      %get3A_212 = arith.index_cast %get3A_211 : i32 to index
      %get3A_213 = arith.index_cast %mul3A_210 : i32 to index
      %get3A_214 = tpu.vector_load %arg9[%get3A_212, %get3A_213] {strides = array<i32>} : memref<16x640xf32, #tpu.memory_space<vmem>>, vector<16xf32>,
      %add3A_215 = arith.addf %add3A_208, %get3A_214 : vector<16xf32>
      %mul3A_216 = arith.constant 16 : i32
      %mul3A_217 = arith.muli %scan3A_112, %mul3A_216 : i32
      %get3A_218 = arith.constant 15 : i32
      %get3A_219 = arith.index_cast %get3A_218 : i32 to index
      %get3A_220 = arith.index_cast %mul3A_217 : i32 to index
      %get3A_221 = tpu.vector_load %arg9[%get3A_219, %get3A_220] {strides = array<i32>} : memref<16x640xf32, #tpu.memory_space<vmem>>, vector<16xf32>,
      %add3A_222 = arith.addf %add3A_215, %get3A_221 : vector<16xf32>
      %mul3A_223 = arith.constant 16 : i32
      %mul3A_224 = arith.muli %scan3A_112, %mul3A_223 : i32
      %add3A_225 = vector.broadcast %mul3A_224 : i32 to vector<16xi32>
      %add3A_226 = arith.addi %add3A_225, %iota3A : vector<16xi32>
      %broadcast_in_dim3A_227 = arith.constant 0 : i32
      %broadcast_in_dim3A_228 = vector.broadcast %broadcast_in_dim3A_227 : i32 to vector<16xi32>
      tpu.vector_store_idx %arg10[%add3A_226, %broadcast_in_dim3A_228], %add3A_222 : memref<640x8xf32, #tpu.memory_space<vmem>>[vector<16xi32>, vector<16xi32>], vector<16xf32>,
    }
    %scan3A_54 = arith.constant 40 : i32
    %barrier3A_55 = arith.constant 0 : index
    tpu.barrier barrier_id(%barrier3A_55)
    "tpu.region"() ({
      %run_scoped3A = tpu.sem_alloc : memref<!tpu.dma_semaphore, #tpu.memory_space<semaphore_mem>>
      tpu.enqueue_dma source(%arg5 : memref<10240xf32, #tpu.memory_space<hbm>>) target(%arg8 : memref<10240xf32, #tpu.memory_space<vmem>>) target_semaphore(%run_scoped3A : memref<!tpu.dma_semaphore, #tpu.memory_space<semaphore_mem>>)
      tpu.wait_dma2 semaphore(%run_scoped3A : memref<!tpu.dma_semaphore, #tpu.memory_space<semaphore_mem>>) src(%arg5 : memref<10240xf32, #tpu.memory_space<hbm>>) dst(%arg8 : memref<10240xf32, #tpu.memory_space<vmem>>)
      tpu.yield
    }) : () -> ()
    %dma_start3A_56 = arith.constant 0 : i32
    %dma_start3A_57 = arith.constant 0 : i32
    %dma_start3A_58 = arith.constant 0 : i32
    %dma_start3A_59 = tpu.memref_slice %arg3[%add3A, %dma_start3A_56, %dma_start3A_57, %dma_start3A_58] : memref<32x2x40x128xi32, #tpu.memory_space<hbm>> -> memref<1x1x40x128xi32, #tpu.memory_space<hbm>>
    %dma_start3A_60 = tpu.memref_squeeze %dma_start3A_59 : memref<1x1x40x128xi32, #tpu.memory_space<hbm>> -> memref<40x128xi32, #tpu.memory_space<hbm>>
    %dma_start3A_61 = arith.constant 0 : i32
    %dma_start3A_62 = arith.constant 0 : i32
    %dma_start3A_63 = tpu.memref_slice %arg3[%add3A, %dma_start3A_56, %dma_start3A_61, %dma_start3A_62] : memref<32x2x40x128xi32, #tpu.memory_space<hbm>> -> memref<1x1x40x128xi32, #tpu.memory_space<hbm>>
    %dma_start3A_64 = tpu.memref_squeeze %dma_start3A_63 : memref<1x1x40x128xi32, #tpu.memory_space<hbm>> -> memref<40x128xi32, #tpu.memory_space<hbm>>
    tpu.enqueue_dma source(%dma_start3A_64 : memref<40x128xi32, #tpu.memory_space<hbm>>) target(%arg7 : memref<40x128xi32, #tpu.memory_space<vmem>>) target_semaphore(%arg12 : memref<!tpu.dma_semaphore, #tpu.memory_space<semaphore_mem>>)
    %dma_wait3A_65 = arith.constant 0 : i32
    %dma_wait3A_66 = arith.constant 0 : i32
    %dma_wait3A_67 = arith.constant 0 : i32
    %dma_wait3A_68 = tpu.memref_slice %arg3[%add3A, %dma_wait3A_65, %dma_wait3A_66, %dma_wait3A_67] : memref<32x2x40x128xi32, #tpu.memory_space<hbm>> -> memref<1x1x40x128xi32, #tpu.memory_space<hbm>>
    %dma_wait3A_69 = tpu.memref_squeeze %dma_wait3A_68 : memref<1x1x40x128xi32, #tpu.memory_space<hbm>> -> memref<40x128xi32, #tpu.memory_space<hbm>>
    %dma_wait3A_70 = arith.constant 0 : i32
    %dma_wait3A_71 = arith.constant 0 : i32
    %dma_wait3A_72 = tpu.memref_slice %arg3[%add3A, %dma_wait3A_65, %dma_wait3A_70, %dma_wait3A_71] : memref<32x2x40x128xi32, #tpu.memory_space<hbm>> -> memref<1x1x40x128xi32, #tpu.memory_space<hbm>>
    %dma_wait3A_73 = tpu.memref_squeeze %dma_wait3A_72 : memref<1x1x40x128xi32, #tpu.memory_space<hbm>> -> memref<40x128xi32, #tpu.memory_space<hbm>>
    tpu.wait_dma2 semaphore(%arg12 : memref<!tpu.dma_semaphore, #tpu.memory_space<semaphore_mem>>) src(%dma_wait3A_73 : memref<40x128xi32, #tpu.memory_space<hbm>>) dst(%arg7 : memref<40x128xi32, #tpu.memory_space<vmem>>)
    %scan3A_74 = arith.constant 0 : i32
    %scan3A_75 = arith.constant 0 : i32
    %scan3A_76 = arith.constant 40 : i32
    %scan3A_77 = arith.addi %scan3A_75, %scan3A_76 : i32
    %scan3A_78 = arith.constant 1 : i32
    scf.for %scan3A_112 = %scan3A_75 to %scan3A_77 step %scan3A_78  : i32 {
      %get3A = arith.index_cast %scan3A_112 : i32 to index
      %get3A_113 = arith.constant 0 : index
      %get3A_114 = tpu.vector_load %arg7[%get3A, %get3A_113] {strides = array<i32>} : memref<40x128xi32, #tpu.memory_space<vmem>>, vector<16xi32>,
      tpu.vector_store_idx %arg8[%get3A_114], %broadcast_in_dim3A_3 {add = true} : memref<10240xf32, #tpu.memory_space<vmem>>[vector<16xi32>], vector<16xf32>,
      %get3A_115 = arith.index_cast %scan3A_112 : i32 to index
      %get3A_116 = arith.constant 16 : index
      %get3A_117 = tpu.vector_load %arg7[%get3A_115, %get3A_116] {strides = array<i32>} : memref<40x128xi32, #tpu.memory_space<vmem>>, vector<16xi32>,
      tpu.vector_store_idx %arg8[%get3A_117], %broadcast_in_dim3A_3 {add = true} : memref<10240xf32, #tpu.memory_space<vmem>>[vector<16xi32>], vector<16xf32>,
      %get3A_118 = arith.index_cast %scan3A_112 : i32 to index
      %get3A_119 = arith.constant 32 : index
      %get3A_120 = tpu.vector_load %arg7[%get3A_118, %get3A_119] {strides = array<i32>} : memref<40x128xi32, #tpu.memory_space<vmem>>, vector<16xi32>,
      tpu.vector_store_idx %arg8[%get3A_120], %broadcast_in_dim3A_3 {add = true} : memref<10240xf32, #tpu.memory_space<vmem>>[vector<16xi32>], vector<16xf32>,
      %get3A_121 = arith.index_cast %scan3A_112 : i32 to index
      %get3A_122 = arith.constant 48 : index
      %get3A_123 = tpu.vector_load %arg7[%get3A_121, %get3A_122] {strides = array<i32>} : memref<40x128xi32, #tpu.memory_space<vmem>>, vector<16xi32>,
      tpu.vector_store_idx %arg8[%get3A_123], %broadcast_in_dim3A_3 {add = true} : memref<10240xf32, #tpu.memory_space<vmem>>[vector<16xi32>], vector<16xf32>,
      %get3A_124 = arith.index_cast %scan3A_112 : i32 to index
      %get3A_125 = arith.constant 64 : index
      %get3A_126 = tpu.vector_load %arg7[%get3A_124, %get3A_125] {strides = array<i32>} : memref<40x128xi32, #tpu.memory_space<vmem>>, vector<16xi32>,
      tpu.vector_store_idx %arg8[%get3A_126], %broadcast_in_dim3A_3 {add = true} : memref<10240xf32, #tpu.memory_space<vmem>>[vector<16xi32>], vector<16xf32>,
      %get3A_127 = arith.index_cast %scan3A_112 : i32 to index
      %get3A_128 = arith.constant 80 : index
      %get3A_129 = tpu.vector_load %arg7[%get3A_127, %get3A_128] {strides = array<i32>} : memref<40x128xi32, #tpu.memory_space<vmem>>, vector<16xi32>,
      tpu.vector_store_idx %arg8[%get3A_129], %broadcast_in_dim3A_3 {add = true} : memref<10240xf32, #tpu.memory_space<vmem>>[vector<16xi32>], vector<16xf32>,
      %get3A_130 = arith.index_cast %scan3A_112 : i32 to index
      %get3A_131 = arith.constant 96 : index
      %get3A_132 = tpu.vector_load %arg7[%get3A_130, %get3A_131] {strides = array<i32>} : memref<40x128xi32, #tpu.memory_space<vmem>>, vector<16xi32>,
      tpu.vector_store_idx %arg8[%get3A_132], %broadcast_in_dim3A_3 {add = true} : memref<10240xf32, #tpu.memory_space<vmem>>[vector<16xi32>], vector<16xf32>,
      %get3A_133 = arith.index_cast %scan3A_112 : i32 to index
      %get3A_134 = arith.constant 112 : index
      %get3A_135 = tpu.vector_load %arg7[%get3A_133, %get3A_134] {strides = array<i32>} : memref<40x128xi32, #tpu.memory_space<vmem>>, vector<16xi32>,
      tpu.vector_store_idx %arg8[%get3A_135], %broadcast_in_dim3A_3 {add = true} : memref<10240xf32, #tpu.memory_space<vmem>>[vector<16xi32>], vector<16xf32>,
    }
    %scan3A_79 = arith.constant 40 : i32
    %dma_start3A_80 = arith.constant 1 : i32
    %dma_start3A_81 = arith.constant 0 : i32
    %dma_start3A_82 = arith.constant 0 : i32
    %dma_start3A_83 = tpu.memref_slice %arg3[%add3A, %dma_start3A_80, %dma_start3A_81, %dma_start3A_82] : memref<32x2x40x128xi32, #tpu.memory_space<hbm>> -> memref<1x1x40x128xi32, #tpu.memory_space<hbm>>
    %dma_start3A_84 = tpu.memref_squeeze %dma_start3A_83 : memref<1x1x40x128xi32, #tpu.memory_space<hbm>> -> memref<40x128xi32, #tpu.memory_space<hbm>>
    %dma_start3A_85 = arith.constant 0 : i32
    %dma_start3A_86 = arith.constant 0 : i32
    %dma_start3A_87 = tpu.memref_slice %arg3[%add3A, %dma_start3A_80, %dma_start3A_85, %dma_start3A_86] : memref<32x2x40x128xi32, #tpu.memory_space<hbm>> -> memref<1x1x40x128xi32, #tpu.memory_space<hbm>>
    %dma_start3A_88 = tpu.memref_squeeze %dma_start3A_87 : memref<1x1x40x128xi32, #tpu.memory_space<hbm>> -> memref<40x128xi32, #tpu.memory_space<hbm>>
    tpu.enqueue_dma source(%dma_start3A_88 : memref<40x128xi32, #tpu.memory_space<hbm>>) target(%arg7 : memref<40x128xi32, #tpu.memory_space<vmem>>) target_semaphore(%arg12 : memref<!tpu.dma_semaphore, #tpu.memory_space<semaphore_mem>>)
    %dma_wait3A_89 = arith.constant 1 : i32
    %dma_wait3A_90 = arith.constant 0 : i32
    %dma_wait3A_91 = arith.constant 0 : i32
    %dma_wait3A_92 = tpu.memref_slice %arg3[%add3A, %dma_wait3A_89, %dma_wait3A_90, %dma_wait3A_91] : memref<32x2x40x128xi32, #tpu.memory_space<hbm>> -> memref<1x1x40x128xi32, #tpu.memory_space<hbm>>
    %dma_wait3A_93 = tpu.memref_squeeze %dma_wait3A_92 : memref<1x1x40x128xi32, #tpu.memory_space<hbm>> -> memref<40x128xi32, #tpu.memory_space<hbm>>
    %dma_wait3A_94 = arith.constant 0 : i32
    %dma_wait3A_95 = arith.constant 0 : i32
    %dma_wait3A_96 = tpu.memref_slice %arg3[%add3A, %dma_wait3A_89, %dma_wait3A_94, %dma_wait3A_95] : memref<32x2x40x128xi32, #tpu.memory_space<hbm>> -> memref<1x1x40x128xi32, #tpu.memory_space<hbm>>
    %dma_wait3A_97 = tpu.memref_squeeze %dma_wait3A_96 : memref<1x1x40x128xi32, #tpu.memory_space<hbm>> -> memref<40x128xi32, #tpu.memory_space<hbm>>
    tpu.wait_dma2 semaphore(%arg12 : memref<!tpu.dma_semaphore, #tpu.memory_space<semaphore_mem>>) src(%dma_wait3A_97 : memref<40x128xi32, #tpu.memory_space<hbm>>) dst(%arg7 : memref<40x128xi32, #tpu.memory_space<vmem>>)
    %scan3A_98 = arith.constant 0 : i32
    %scan3A_99 = arith.constant 0 : i32
    %scan3A_100 = arith.constant 40 : i32
    %scan3A_101 = arith.addi %scan3A_99, %scan3A_100 : i32
    %scan3A_102 = arith.constant 1 : i32
    scf.for %scan3A_112 = %scan3A_99 to %scan3A_101 step %scan3A_102  : i32 {
      %get3A = arith.index_cast %scan3A_112 : i32 to index
      %get3A_113 = arith.constant 0 : index
      %get3A_114 = tpu.vector_load %arg7[%get3A, %get3A_113] {strides = array<i32>} : memref<40x128xi32, #tpu.memory_space<vmem>>, vector<16xi32>,
      tpu.vector_store_idx %arg8[%get3A_114], %broadcast_in_dim3A_3 {add = true} : memref<10240xf32, #tpu.memory_space<vmem>>[vector<16xi32>], vector<16xf32>,
      %get3A_115 = arith.index_cast %scan3A_112 : i32 to index
      %get3A_116 = arith.constant 16 : index
      %get3A_117 = tpu.vector_load %arg7[%get3A_115, %get3A_116] {strides = array<i32>} : memref<40x128xi32, #tpu.memory_space<vmem>>, vector<16xi32>,
      tpu.vector_store_idx %arg8[%get3A_117], %broadcast_in_dim3A_3 {add = true} : memref<10240xf32, #tpu.memory_space<vmem>>[vector<16xi32>], vector<16xf32>,
      %get3A_118 = arith.index_cast %scan3A_112 : i32 to index
      %get3A_119 = arith.constant 32 : index
      %get3A_120 = tpu.vector_load %arg7[%get3A_118, %get3A_119] {strides = array<i32>} : memref<40x128xi32, #tpu.memory_space<vmem>>, vector<16xi32>,
      tpu.vector_store_idx %arg8[%get3A_120], %broadcast_in_dim3A_3 {add = true} : memref<10240xf32, #tpu.memory_space<vmem>>[vector<16xi32>], vector<16xf32>,
      %get3A_121 = arith.index_cast %scan3A_112 : i32 to index
      %get3A_122 = arith.constant 48 : index
      %get3A_123 = tpu.vector_load %arg7[%get3A_121, %get3A_122] {strides = array<i32>} : memref<40x128xi32, #tpu.memory_space<vmem>>, vector<16xi32>,
      tpu.vector_store_idx %arg8[%get3A_123], %broadcast_in_dim3A_3 {add = true} : memref<10240xf32, #tpu.memory_space<vmem>>[vector<16xi32>], vector<16xf32>,
      %get3A_124 = arith.index_cast %scan3A_112 : i32 to index
      %get3A_125 = arith.constant 64 : index
      %get3A_126 = tpu.vector_load %arg7[%get3A_124, %get3A_125] {strides = array<i32>} : memref<40x128xi32, #tpu.memory_space<vmem>>, vector<16xi32>,
      tpu.vector_store_idx %arg8[%get3A_126], %broadcast_in_dim3A_3 {add = true} : memref<10240xf32, #tpu.memory_space<vmem>>[vector<16xi32>], vector<16xf32>,
      %get3A_127 = arith.index_cast %scan3A_112 : i32 to index
      %get3A_128 = arith.constant 80 : index
      %get3A_129 = tpu.vector_load %arg7[%get3A_127, %get3A_128] {strides = array<i32>} : memref<40x128xi32, #tpu.memory_space<vmem>>, vector<16xi32>,
      tpu.vector_store_idx %arg8[%get3A_129], %broadcast_in_dim3A_3 {add = true} : memref<10240xf32, #tpu.memory_space<vmem>>[vector<16xi32>], vector<16xf32>,
      %get3A_130 = arith.index_cast %scan3A_112 : i32 to index
      %get3A_131 = arith.constant 96 : index
      %get3A_132 = tpu.vector_load %arg7[%get3A_130, %get3A_131] {strides = array<i32>} : memref<40x128xi32, #tpu.memory_space<vmem>>, vector<16xi32>,
      tpu.vector_store_idx %arg8[%get3A_132], %broadcast_in_dim3A_3 {add = true} : memref<10240xf32, #tpu.memory_space<vmem>>[vector<16xi32>], vector<16xf32>,
      %get3A_133 = arith.index_cast %scan3A_112 : i32 to index
      %get3A_134 = arith.constant 112 : index
      %get3A_135 = tpu.vector_load %arg7[%get3A_133, %get3A_134] {strides = array<i32>} : memref<40x128xi32, #tpu.memory_space<vmem>>, vector<16xi32>,
      tpu.vector_store_idx %arg8[%get3A_135], %broadcast_in_dim3A_3 {add = true} : memref<10240xf32, #tpu.memory_space<vmem>>[vector<16xi32>], vector<16xf32>,
    }
    %scan3A_103 = arith.constant 40 : i32
    "tpu.region"() ({
      %run_scoped3A = tpu.sem_alloc : memref<!tpu.dma_semaphore, #tpu.memory_space<semaphore_mem>>
      %dma_start3A_112 = arith.constant 0 : i32
      %dma_start3A_113 = tpu.memref_slice %arg11[%arg1, %dma_start3A_112] : memref<16x10240xf32, #tpu.memory_space<vmem_shared>> -> memref<1x10240xf32, #tpu.memory_space<vmem_shared>>
      %dma_start3A_114 = tpu.memref_squeeze %dma_start3A_113 : memref<1x10240xf32, #tpu.memory_space<vmem_shared>> -> memref<10240xf32, #tpu.memory_space<vmem_shared>>
      %dma_start3A_115 = arith.constant 0 : i32
      %dma_start3A_116 = tpu.memref_slice %arg11[%arg1, %dma_start3A_115] : memref<16x10240xf32, #tpu.memory_space<vmem_shared>> -> memref<1x10240xf32, #tpu.memory_space<vmem_shared>>
      %dma_start3A_117 = tpu.memref_squeeze %dma_start3A_116 : memref<1x10240xf32, #tpu.memory_space<vmem_shared>> -> memref<10240xf32, #tpu.memory_space<vmem_shared>>
      tpu.enqueue_dma source(%arg8 : memref<10240xf32, #tpu.memory_space<vmem>>) target(%dma_start3A_117 : memref<10240xf32, #tpu.memory_space<vmem_shared>>) target_semaphore(%run_scoped3A : memref<!tpu.dma_semaphore, #tpu.memory_space<semaphore_mem>>)
      %dma_wait3A_118 = arith.constant 0 : i32
      %dma_wait3A_119 = tpu.memref_slice %arg11[%arg1, %dma_wait3A_118] : memref<16x10240xf32, #tpu.memory_space<vmem_shared>> -> memref<1x10240xf32, #tpu.memory_space<vmem_shared>>
      %dma_wait3A_120 = tpu.memref_squeeze %dma_wait3A_119 : memref<1x10240xf32, #tpu.memory_space<vmem_shared>> -> memref<10240xf32, #tpu.memory_space<vmem_shared>>
      %dma_wait3A_121 = arith.constant 0 : i32
      %dma_wait3A_122 = tpu.memref_slice %arg11[%arg1, %dma_wait3A_121] : memref<16x10240xf32, #tpu.memory_space<vmem_shared>> -> memref<1x10240xf32, #tpu.memory_space<vmem_shared>>
      %dma_wait3A_123 = tpu.memref_squeeze %dma_wait3A_122 : memref<1x10240xf32, #tpu.memory_space<vmem_shared>> -> memref<10240xf32, #tpu.memory_space<vmem_shared>>
      tpu.wait_dma2 semaphore(%run_scoped3A : memref<!tpu.dma_semaphore, #tpu.memory_space<semaphore_mem>>) src(%arg8 : memref<10240xf32, #tpu.memory_space<vmem>>) dst(%dma_wait3A_123 : memref<10240xf32, #tpu.memory_space<vmem_shared>>)
      tpu.yield
    }) : () -> ()
    %barrier3A_104 = arith.constant 0 : index
    tpu.barrier barrier_id(%barrier3A_104)
    "tpu.region"() ({
      %run_scoped3A = tpu.sem_alloc : memref<!tpu.dma_semaphore, #tpu.memory_space<semaphore_mem>>
      %dma_start3A_112 = arith.constant 0 : i32
      %dma_start3A_113 = tpu.memref_slice %arg11[%dma_start3A_112, %mul3A_2] : memref<16x10240xf32, #tpu.memory_space<vmem_shared>> -> memref<16x640xf32, #tpu.memory_space<vmem_shared>>
      %dma_start3A_114 = arith.constant 0 : i32
      %dma_start3A_115 = tpu.memref_slice %arg11[%dma_start3A_114, %mul3A_2] : memref<16x10240xf32, #tpu.memory_space<vmem_shared>> -> memref<16x640xf32, #tpu.memory_space<vmem_shared>>
      tpu.enqueue_dma source(%dma_start3A_115 : memref<16x640xf32, #tpu.memory_space<vmem_shared>>) target(%arg9 : memref<16x640xf32, #tpu.memory_space<vmem>>) target_semaphore(%run_scoped3A : memref<!tpu.dma_semaphore, #tpu.memory_space<semaphore_mem>>)
      %dma_wait3A_116 = arith.constant 0 : i32
      %dma_wait3A_117 = tpu.memref_slice %arg11[%dma_wait3A_116, %mul3A_2] : memref<16x10240xf32, #tpu.memory_space<vmem_shared>> -> memref<16x640xf32, #tpu.memory_space<vmem_shared>>
      %dma_wait3A_118 = arith.constant 0 : i32
      %dma_wait3A_119 = tpu.memref_slice %arg11[%dma_wait3A_118, %mul3A_2] : memref<16x10240xf32, #tpu.memory_space<vmem_shared>> -> memref<16x640xf32, #tpu.memory_space<vmem_shared>>
      tpu.wait_dma2 semaphore(%run_scoped3A : memref<!tpu.dma_semaphore, #tpu.memory_space<semaphore_mem>>) src(%dma_wait3A_119 : memref<16x640xf32, #tpu.memory_space<vmem_shared>>) dst(%arg9 : memref<16x640xf32, #tpu.memory_space<vmem>>)
      tpu.yield
    }) : () -> ()
    %scan3A_105 = arith.constant 0 : i32
    %scan3A_106 = arith.constant 0 : i32
    %scan3A_107 = arith.constant 40 : i32
    %scan3A_108 = arith.addi %scan3A_106, %scan3A_107 : i32
    %scan3A_109 = arith.constant 1 : i32
    scf.for %scan3A_112 = %scan3A_106 to %scan3A_108 step %scan3A_109  : i32 {
      %mul3A_113 = arith.constant 16 : i32
      %mul3A_114 = arith.muli %scan3A_112, %mul3A_113 : i32
      %get3A = arith.constant 0 : i32
      %get3A_115 = arith.index_cast %get3A : i32 to index
      %get3A_116 = arith.index_cast %mul3A_114 : i32 to index
      %get3A_117 = tpu.vector_load %arg9[%get3A_115, %get3A_116] {strides = array<i32>} : memref<16x640xf32, #tpu.memory_space<vmem>>, vector<16xf32>,
      %mul3A_118 = arith.constant 16 : i32
      %mul3A_119 = arith.muli %scan3A_112, %mul3A_118 : i32
      %get3A_120 = arith.constant 1 : i32
      %get3A_121 = arith.index_cast %get3A_120 : i32 to index
      %get3A_122 = arith.index_cast %mul3A_119 : i32 to index
      %get3A_123 = tpu.vector_load %arg9[%get3A_121, %get3A_122] {strides = array<i32>} : memref<16x640xf32, #tpu.memory_space<vmem>>, vector<16xf32>,
      %add3A_124 = arith.addf %get3A_117, %get3A_123 : vector<16xf32>
      %mul3A_125 = arith.constant 16 : i32
      %mul3A_126 = arith.muli %scan3A_112, %mul3A_125 : i32
      %get3A_127 = arith.constant 2 : i32
      %get3A_128 = arith.index_cast %get3A_127 : i32 to index
      %get3A_129 = arith.index_cast %mul3A_126 : i32 to index
      %get3A_130 = tpu.vector_load %arg9[%get3A_128, %get3A_129] {strides = array<i32>} : memref<16x640xf32, #tpu.memory_space<vmem>>, vector<16xf32>,
      %add3A_131 = arith.addf %add3A_124, %get3A_130 : vector<16xf32>
      %mul3A_132 = arith.constant 16 : i32
      %mul3A_133 = arith.muli %scan3A_112, %mul3A_132 : i32
      %get3A_134 = arith.constant 3 : i32
      %get3A_135 = arith.index_cast %get3A_134 : i32 to index
      %get3A_136 = arith.index_cast %mul3A_133 : i32 to index
      %get3A_137 = tpu.vector_load %arg9[%get3A_135, %get3A_136] {strides = array<i32>} : memref<16x640xf32, #tpu.memory_space<vmem>>, vector<16xf32>,
      %add3A_138 = arith.addf %add3A_131, %get3A_137 : vector<16xf32>
      %mul3A_139 = arith.constant 16 : i32
      %mul3A_140 = arith.muli %scan3A_112, %mul3A_139 : i32
      %get3A_141 = arith.constant 4 : i32
      %get3A_142 = arith.index_cast %get3A_141 : i32 to index
      %get3A_143 = arith.index_cast %mul3A_140 : i32 to index
      %get3A_144 = tpu.vector_load %arg9[%get3A_142, %get3A_143] {strides = array<i32>} : memref<16x640xf32, #tpu.memory_space<vmem>>, vector<16xf32>,
      %add3A_145 = arith.addf %add3A_138, %get3A_144 : vector<16xf32>
      %mul3A_146 = arith.constant 16 : i32
      %mul3A_147 = arith.muli %scan3A_112, %mul3A_146 : i32
      %get3A_148 = arith.constant 5 : i32
      %get3A_149 = arith.index_cast %get3A_148 : i32 to index
      %get3A_150 = arith.index_cast %mul3A_147 : i32 to index
      %get3A_151 = tpu.vector_load %arg9[%get3A_149, %get3A_150] {strides = array<i32>} : memref<16x640xf32, #tpu.memory_space<vmem>>, vector<16xf32>,
      %add3A_152 = arith.addf %add3A_145, %get3A_151 : vector<16xf32>
      %mul3A_153 = arith.constant 16 : i32
      %mul3A_154 = arith.muli %scan3A_112, %mul3A_153 : i32
      %get3A_155 = arith.constant 6 : i32
      %get3A_156 = arith.index_cast %get3A_155 : i32 to index
      %get3A_157 = arith.index_cast %mul3A_154 : i32 to index
      %get3A_158 = tpu.vector_load %arg9[%get3A_156, %get3A_157] {strides = array<i32>} : memref<16x640xf32, #tpu.memory_space<vmem>>, vector<16xf32>,
      %add3A_159 = arith.addf %add3A_152, %get3A_158 : vector<16xf32>
      %mul3A_160 = arith.constant 16 : i32
      %mul3A_161 = arith.muli %scan3A_112, %mul3A_160 : i32
      %get3A_162 = arith.constant 7 : i32
      %get3A_163 = arith.index_cast %get3A_162 : i32 to index
      %get3A_164 = arith.index_cast %mul3A_161 : i32 to index
      %get3A_165 = tpu.vector_load %arg9[%get3A_163, %get3A_164] {strides = array<i32>} : memref<16x640xf32, #tpu.memory_space<vmem>>, vector<16xf32>,
      %add3A_166 = arith.addf %add3A_159, %get3A_165 : vector<16xf32>
      %mul3A_167 = arith.constant 16 : i32
      %mul3A_168 = arith.muli %scan3A_112, %mul3A_167 : i32
      %get3A_169 = arith.constant 8 : i32
      %get3A_170 = arith.index_cast %get3A_169 : i32 to index
      %get3A_171 = arith.index_cast %mul3A_168 : i32 to index
      %get3A_172 = tpu.vector_load %arg9[%get3A_170, %get3A_171] {strides = array<i32>} : memref<16x640xf32, #tpu.memory_space<vmem>>, vector<16xf32>,
      %add3A_173 = arith.addf %add3A_166, %get3A_172 : vector<16xf32>
      %mul3A_174 = arith.constant 16 : i32
      %mul3A_175 = arith.muli %scan3A_112, %mul3A_174 : i32
      %get3A_176 = arith.constant 9 : i32
      %get3A_177 = arith.index_cast %get3A_176 : i32 to index
      %get3A_178 = arith.index_cast %mul3A_175 : i32 to index
      %get3A_179 = tpu.vector_load %arg9[%get3A_177, %get3A_178] {strides = array<i32>} : memref<16x640xf32, #tpu.memory_space<vmem>>, vector<16xf32>,
      %add3A_180 = arith.addf %add3A_173, %get3A_179 : vector<16xf32>
      %mul3A_181 = arith.constant 16 : i32
      %mul3A_182 = arith.muli %scan3A_112, %mul3A_181 : i32
      %get3A_183 = arith.constant 10 : i32
      %get3A_184 = arith.index_cast %get3A_183 : i32 to index
      %get3A_185 = arith.index_cast %mul3A_182 : i32 to index
      %get3A_186 = tpu.vector_load %arg9[%get3A_184, %get3A_185] {strides = array<i32>} : memref<16x640xf32, #tpu.memory_space<vmem>>, vector<16xf32>,
      %add3A_187 = arith.addf %add3A_180, %get3A_186 : vector<16xf32>
      %mul3A_188 = arith.constant 16 : i32
      %mul3A_189 = arith.muli %scan3A_112, %mul3A_188 : i32
      %get3A_190 = arith.constant 11 : i32
      %get3A_191 = arith.index_cast %get3A_190 : i32 to index
      %get3A_192 = arith.index_cast %mul3A_189 : i32 to index
      %get3A_193 = tpu.vector_load %arg9[%get3A_191, %get3A_192] {strides = array<i32>} : memref<16x640xf32, #tpu.memory_space<vmem>>, vector<16xf32>,
      %add3A_194 = arith.addf %add3A_187, %get3A_193 : vector<16xf32>
      %mul3A_195 = arith.constant 16 : i32
      %mul3A_196 = arith.muli %scan3A_112, %mul3A_195 : i32
      %get3A_197 = arith.constant 12 : i32
      %get3A_198 = arith.index_cast %get3A_197 : i32 to index
      %get3A_199 = arith.index_cast %mul3A_196 : i32 to index
      %get3A_200 = tpu.vector_load %arg9[%get3A_198, %get3A_199] {strides = array<i32>} : memref<16x640xf32, #tpu.memory_space<vmem>>, vector<16xf32>,
      %add3A_201 = arith.addf %add3A_194, %get3A_200 : vector<16xf32>
      %mul3A_202 = arith.constant 16 : i32
      %mul3A_203 = arith.muli %scan3A_112, %mul3A_202 : i32
      %get3A_204 = arith.constant 13 : i32
      %get3A_205 = arith.index_cast %get3A_204 : i32 to index
      %get3A_206 = arith.index_cast %mul3A_203 : i32 to index
      %get3A_207 = tpu.vector_load %arg9[%get3A_205, %get3A_206] {strides = array<i32>} : memref<16x640xf32, #tpu.memory_space<vmem>>, vector<16xf32>,
      %add3A_208 = arith.addf %add3A_201, %get3A_207 : vector<16xf32>
      %mul3A_209 = arith.constant 16 : i32
      %mul3A_210 = arith.muli %scan3A_112, %mul3A_209 : i32
      %get3A_211 = arith.constant 14 : i32
      %get3A_212 = arith.index_cast %get3A_211 : i32 to index
      %get3A_213 = arith.index_cast %mul3A_210 : i32 to index
      %get3A_214 = tpu.vector_load %arg9[%get3A_212, %get3A_213] {strides = array<i32>} : memref<16x640xf32, #tpu.memory_space<vmem>>, vector<16xf32>,
      %add3A_215 = arith.addf %add3A_208, %get3A_214 : vector<16xf32>
      %mul3A_216 = arith.constant 16 : i32
      %mul3A_217 = arith.muli %scan3A_112, %mul3A_216 : i32
      %get3A_218 = arith.constant 15 : i32
      %get3A_219 = arith.index_cast %get3A_218 : i32 to index
      %get3A_220 = arith.index_cast %mul3A_217 : i32 to index
      %get3A_221 = tpu.vector_load %arg9[%get3A_219, %get3A_220] {strides = array<i32>} : memref<16x640xf32, #tpu.memory_space<vmem>>, vector<16xf32>,
      %add3A_222 = arith.addf %add3A_215, %get3A_221 : vector<16xf32>
      %mul3A_223 = arith.constant 16 : i32
      %mul3A_224 = arith.muli %scan3A_112, %mul3A_223 : i32
      %add3A_225 = vector.broadcast %mul3A_224 : i32 to vector<16xi32>
      %add3A_226 = arith.addi %add3A_225, %iota3A : vector<16xi32>
      %broadcast_in_dim3A_227 = arith.constant 1 : i32
      %broadcast_in_dim3A_228 = vector.broadcast %broadcast_in_dim3A_227 : i32 to vector<16xi32>
      tpu.vector_store_idx %arg10[%add3A_226, %broadcast_in_dim3A_228], %add3A_222 : memref<640x8xf32, #tpu.memory_space<vmem>>[vector<16xi32>, vector<16xi32>], vector<16xf32>,
    }
    %scan3A_110 = arith.constant 40 : i32
    %barrier3A_111 = arith.constant 0 : index
    tpu.barrier barrier_id(%barrier3A_111)
    "tpu.region"() ({
      %run_scoped3A = tpu.sem_alloc : memref<!tpu.dma_semaphore, #tpu.memory_space<semaphore_mem>>
      %dma_start3A_112 = arith.constant 0 : i32
      %dma_start3A_113 = tpu.memref_slice %arg6[%arg0, %mul3A_2, %dma_start3A_112] : memref<2x10240x8xf32, #tpu.memory_space<hbm>> -> memref<1x640x8xf32, #tpu.memory_space<hbm>>
      %dma_start3A_114 = tpu.memref_squeeze %dma_start3A_113 : memref<1x640x8xf32, #tpu.memory_space<hbm>> -> memref<640x8xf32, #tpu.memory_space<hbm>>
      %dma_start3A_115 = arith.constant 0 : i32
      %dma_start3A_116 = tpu.memref_slice %arg6[%arg0, %mul3A_2, %dma_start3A_115] : memref<2x10240x8xf32, #tpu.memory_space<hbm>> -> memref<1x640x8xf32, #tpu.memory_space<hbm>>
      %dma_start3A_117 = tpu.memref_squeeze %dma_start3A_116 : memref<1x640x8xf32, #tpu.memory_space<hbm>> -> memref<640x8xf32, #tpu.memory_space<hbm>>
      tpu.enqueue_dma source(%arg10 : memref<640x8xf32, #tpu.memory_space<vmem>>) target(%dma_start3A_117 : memref<640x8xf32, #tpu.memory_space<hbm>>) target_semaphore(%run_scoped3A : memref<!tpu.dma_semaphore, #tpu.memory_space<semaphore_mem>>)
      %dma_wait3A_118 = arith.constant 0 : i32
      %dma_wait3A_119 = tpu.memref_slice %arg6[%arg0, %mul3A_2, %dma_wait3A_118] : memref<2x10240x8xf32, #tpu.memory_space<hbm>> -> memref<1x640x8xf32, #tpu.memory_space<hbm>>
      %dma_wait3A_120 = tpu.memref_squeeze %dma_wait3A_119 : memref<1x640x8xf32, #tpu.memory_space<hbm>> -> memref<640x8xf32, #tpu.memory_space<hbm>>
      %dma_wait3A_121 = arith.constant 0 : i32
      %dma_wait3A_122 = tpu.memref_slice %arg6[%arg0, %mul3A_2, %dma_wait3A_121] : memref<2x10240x8xf32, #tpu.memory_space<hbm>> -> memref<1x640x8xf32, #tpu.memory_space<hbm>>
      %dma_wait3A_123 = tpu.memref_squeeze %dma_wait3A_122 : memref<1x640x8xf32, #tpu.memory_space<hbm>> -> memref<640x8xf32, #tpu.memory_space<hbm>>
      tpu.wait_dma2 semaphore(%run_scoped3A : memref<!tpu.dma_semaphore, #tpu.memory_space<semaphore_mem>>) src(%arg10 : memref<640x8xf32, #tpu.memory_space<vmem>>) dst(%dma_wait3A_123 : memref<640x8xf32, #tpu.memory_space<hbm>>)
      tpu.yield
    }) : () -> ()
    return
  }
}

#map = affine_map<(d0, d1) -> (0, 0)>
#map1 = affine_map<(d0, d1) -> (0, 0, 0, 0)>
#map2 = affine_map<(d0, d1) -> (0, 0, 0)>
module attributes {stable_mosaic.version = 14 : i64} {
  func.func @_segment_sum_body(%arg0: i32, %arg1: i32, %arg2: memref<10240x128xf32, #tpu.memory_space<hbm>>, %arg3: memref<32x2x40x128xi32, #tpu.memory_space<hbm>>, %arg4: memref<32x2x40x128xi32, #tpu.memory_space<hbm>>, %arg5: memref<10240x128xf32, #tpu.memory_space<hbm>>, %arg6: memref<2x10240x128xf32, #tpu.memory_space<hbm>>, %arg7: memref<40x128xi32, #tpu.memory_space<vmem>>, %arg8: memref<40x128xi32, #tpu.memory_space<vmem>>, %arg9: memref<128x128xf32, #tpu.memory_space<vmem>>, %arg10: memref<10240x128xf32, #tpu.memory_space<vmem_shared>>, %arg11: memref<!tpu.dma_semaphore, #tpu.memory_space<semaphore_mem>>) attributes {dimension_semantics = [#tpu.dimension_semantics<core_parallel>, #tpu.dimension_semantics<subcore_parallel>], iteration_bounds = array<i64: 2, 16>, scalar_prefetch = 0 : i64, scratch_operands = 5 : i64, tpu.core_type = #tpu.core_type<sc_vector_subcore>, window_params = [{transform_indices = #map}, {transform_indices = #map1}, {transform_indices = #map1}, {transform_indices = #map}, {transform_indices = #map2}]} {
    %mul3A = arith.constant 16 : i32
    %mul3A_0 = arith.muli %arg0, %mul3A : i32
    %add3A = arith.addi %mul3A_0, %arg1 : i32
    %mul3A_1 = arith.constant 640 : i32
    %mul3A_2 = arith.muli %arg1, %mul3A_1 : i32
    "tpu.region"() ({
      %run_scoped3A = tpu.sem_alloc : memref<!tpu.dma_semaphore, #tpu.memory_space<semaphore_mem>>
      %dma_start3A = arith.constant 0 : i32
      %dma_start3A_9 = tpu.memref_slice %arg10[%mul3A_2, %dma_start3A] : memref<10240x128xf32, #tpu.memory_space<vmem_shared>> -> memref<640x128xf32, #tpu.memory_space<vmem_shared>>
      %dma_start3A_10 = arith.constant 0 : i32
      %dma_start3A_11 = tpu.memref_slice %arg5[%mul3A_2, %dma_start3A_10] : memref<10240x128xf32, #tpu.memory_space<hbm>> -> memref<640x128xf32, #tpu.memory_space<hbm>>
      tpu.enqueue_dma source(%dma_start3A_11 : memref<640x128xf32, #tpu.memory_space<hbm>>) target(%dma_start3A_9 : memref<640x128xf32, #tpu.memory_space<vmem_shared>>) target_semaphore(%run_scoped3A : memref<!tpu.dma_semaphore, #tpu.memory_space<semaphore_mem>>)
      %dma_wait3A = arith.constant 0 : i32
      %dma_wait3A_12 = tpu.memref_slice %arg10[%mul3A_2, %dma_wait3A] : memref<10240x128xf32, #tpu.memory_space<vmem_shared>> -> memref<640x128xf32, #tpu.memory_space<vmem_shared>>
      %dma_wait3A_13 = arith.constant 0 : i32
      %dma_wait3A_14 = tpu.memref_slice %arg5[%mul3A_2, %dma_wait3A_13] : memref<10240x128xf32, #tpu.memory_space<hbm>> -> memref<640x128xf32, #tpu.memory_space<hbm>>
      tpu.wait_dma2 semaphore(%run_scoped3A : memref<!tpu.dma_semaphore, #tpu.memory_space<semaphore_mem>>) src(%dma_wait3A_14 : memref<640x128xf32, #tpu.memory_space<hbm>>) dst(%dma_wait3A_12 : memref<640x128xf32, #tpu.memory_space<vmem_shared>>)
      tpu.yield
    }) : () -> ()
    %barrier3A = arith.constant 0 : index
    tpu.barrier barrier_id(%barrier3A)
    %scan3A = arith.constant 0 : i32
    %scan3A_3 = arith.constant 0 : i32
    %scan3A_4 = arith.constant 2 : i32
    %scan3A_5 = arith.addi %scan3A_3, %scan3A_4 : i32
    %scan3A_6 = arith.constant 1 : i32
    scf.for %scan3A_9 = %scan3A_3 to %scan3A_5 step %scan3A_6  : i32 {
      %dma_start3A = arith.constant 0 : i32
      %dma_start3A_10 = arith.constant 0 : i32
      %dma_start3A_11 = tpu.memref_slice %arg3[%add3A, %scan3A_9, %dma_start3A, %dma_start3A_10] : memref<32x2x40x128xi32, #tpu.memory_space<hbm>> -> memref<1x1x40x128xi32, #tpu.memory_space<hbm>>
      %dma_start3A_12 = tpu.memref_squeeze %dma_start3A_11 : memref<1x1x40x128xi32, #tpu.memory_space<hbm>> -> memref<40x128xi32, #tpu.memory_space<hbm>>
      %dma_start3A_13 = arith.constant 0 : i32
      %dma_start3A_14 = arith.constant 0 : i32
      %dma_start3A_15 = tpu.memref_slice %arg3[%add3A, %scan3A_9, %dma_start3A_13, %dma_start3A_14] : memref<32x2x40x128xi32, #tpu.memory_space<hbm>> -> memref<1x1x40x128xi32, #tpu.memory_space<hbm>>
      %dma_start3A_16 = tpu.memref_squeeze %dma_start3A_15 : memref<1x1x40x128xi32, #tpu.memory_space<hbm>> -> memref<40x128xi32, #tpu.memory_space<hbm>>
      tpu.enqueue_dma source(%dma_start3A_16 : memref<40x128xi32, #tpu.memory_space<hbm>>) target(%arg7 : memref<40x128xi32, #tpu.memory_space<vmem>>) target_semaphore(%arg11 : memref<!tpu.dma_semaphore, #tpu.memory_space<semaphore_mem>>)
      %dma_start3A_17 = arith.constant 0 : i32
      %dma_start3A_18 = arith.constant 0 : i32
      %dma_start3A_19 = tpu.memref_slice %arg4[%add3A, %scan3A_9, %dma_start3A_17, %dma_start3A_18] : memref<32x2x40x128xi32, #tpu.memory_space<hbm>> -> memref<1x1x40x128xi32, #tpu.memory_space<hbm>>
      %dma_start3A_20 = tpu.memref_squeeze %dma_start3A_19 : memref<1x1x40x128xi32, #tpu.memory_space<hbm>> -> memref<40x128xi32, #tpu.memory_space<hbm>>
      %dma_start3A_21 = arith.constant 0 : i32
      %dma_start3A_22 = arith.constant 0 : i32
      %dma_start3A_23 = tpu.memref_slice %arg4[%add3A, %scan3A_9, %dma_start3A_21, %dma_start3A_22] : memref<32x2x40x128xi32, #tpu.memory_space<hbm>> -> memref<1x1x40x128xi32, #tpu.memory_space<hbm>>
      %dma_start3A_24 = tpu.memref_squeeze %dma_start3A_23 : memref<1x1x40x128xi32, #tpu.memory_space<hbm>> -> memref<40x128xi32, #tpu.memory_space<hbm>>
      tpu.enqueue_dma source(%dma_start3A_24 : memref<40x128xi32, #tpu.memory_space<hbm>>) target(%arg8 : memref<40x128xi32, #tpu.memory_space<vmem>>) target_semaphore(%arg11 : memref<!tpu.dma_semaphore, #tpu.memory_space<semaphore_mem>>)
      %dma_wait3A = arith.constant 0 : i32
      %dma_wait3A_25 = arith.constant 0 : i32
      %dma_wait3A_26 = tpu.memref_slice %arg3[%add3A, %scan3A_9, %dma_wait3A, %dma_wait3A_25] : memref<32x2x40x128xi32, #tpu.memory_space<hbm>> -> memref<1x1x40x128xi32, #tpu.memory_space<hbm>>
      %dma_wait3A_27 = tpu.memref_squeeze %dma_wait3A_26 : memref<1x1x40x128xi32, #tpu.memory_space<hbm>> -> memref<40x128xi32, #tpu.memory_space<hbm>>
      %dma_wait3A_28 = arith.constant 0 : i32
      %dma_wait3A_29 = arith.constant 0 : i32
      %dma_wait3A_30 = tpu.memref_slice %arg3[%add3A, %scan3A_9, %dma_wait3A_28, %dma_wait3A_29] : memref<32x2x40x128xi32, #tpu.memory_space<hbm>> -> memref<1x1x40x128xi32, #tpu.memory_space<hbm>>
      %dma_wait3A_31 = tpu.memref_squeeze %dma_wait3A_30 : memref<1x1x40x128xi32, #tpu.memory_space<hbm>> -> memref<40x128xi32, #tpu.memory_space<hbm>>
      tpu.wait_dma2 semaphore(%arg11 : memref<!tpu.dma_semaphore, #tpu.memory_space<semaphore_mem>>) src(%dma_wait3A_31 : memref<40x128xi32, #tpu.memory_space<hbm>>) dst(%arg7 : memref<40x128xi32, #tpu.memory_space<vmem>>)
      %dma_wait3A_32 = arith.constant 0 : i32
      %dma_wait3A_33 = arith.constant 0 : i32
      %dma_wait3A_34 = tpu.memref_slice %arg4[%add3A, %scan3A_9, %dma_wait3A_32, %dma_wait3A_33] : memref<32x2x40x128xi32, #tpu.memory_space<hbm>> -> memref<1x1x40x128xi32, #tpu.memory_space<hbm>>
      %dma_wait3A_35 = tpu.memref_squeeze %dma_wait3A_34 : memref<1x1x40x128xi32, #tpu.memory_space<hbm>> -> memref<40x128xi32, #tpu.memory_space<hbm>>
      %dma_wait3A_36 = arith.constant 0 : i32
      %dma_wait3A_37 = arith.constant 0 : i32
      %dma_wait3A_38 = tpu.memref_slice %arg4[%add3A, %scan3A_9, %dma_wait3A_36, %dma_wait3A_37] : memref<32x2x40x128xi32, #tpu.memory_space<hbm>> -> memref<1x1x40x128xi32, #tpu.memory_space<hbm>>
      %dma_wait3A_39 = tpu.memref_squeeze %dma_wait3A_38 : memref<1x1x40x128xi32, #tpu.memory_space<hbm>> -> memref<40x128xi32, #tpu.memory_space<hbm>>
      tpu.wait_dma2 semaphore(%arg11 : memref<!tpu.dma_semaphore, #tpu.memory_space<semaphore_mem>>) src(%dma_wait3A_39 : memref<40x128xi32, #tpu.memory_space<hbm>>) dst(%arg8 : memref<40x128xi32, #tpu.memory_space<vmem>>)
      %scan3A_40 = arith.constant 0 : i32
      %scan3A_41 = arith.constant 0 : i32
      %scan3A_42 = arith.constant 40 : i32
      %scan3A_43 = arith.addi %scan3A_41, %scan3A_42 : i32
      %scan3A_44 = arith.constant 1 : i32
      scf.for %scan3A_46 = %scan3A_41 to %scan3A_43 step %scan3A_44  : i32 {
        %dma_start3A_47 = arith.constant 0 : i32
        %dma_start3A_48 = tpu.memref_slice %arg7[%scan3A_46, %dma_start3A_47] : memref<40x128xi32, #tpu.memory_space<vmem>> -> memref<1x128xi32, #tpu.memory_space<vmem>>
        %dma_start3A_49 = tpu.memref_squeeze %dma_start3A_48 : memref<1x128xi32, #tpu.memory_space<vmem>> -> memref<128xi32, #tpu.memory_space<vmem>>
        %dma_start3A_50 = arith.constant 0 : i32
        %dma_start3A_51 = arith.constant 0 : i32
        %dma_start3A_52 = tpu.memref_slice %arg2[%dma_start3A_50, %dma_start3A_51] : memref<10240x128xf32, #tpu.memory_space<hbm>> -> memref<10240x128xf32, #tpu.memory_space<hbm>>
        tpu.enqueue_indirect_dma source(%dma_start3A_52 : memref<10240x128xf32, #tpu.memory_space<hbm>>) target(%arg9 : memref<128x128xf32, #tpu.memory_space<vmem>>) offsets(%dma_start3A_49 : memref<128xi32, #tpu.memory_space<vmem>>) semaphore(%arg11 : memref<!tpu.dma_semaphore, #tpu.memory_space<semaphore_mem>>)
        %dma_wait3A_53 = arith.constant 0 : i32
        %dma_wait3A_54 = tpu.memref_slice %arg7[%scan3A_46, %dma_wait3A_53] : memref<40x128xi32, #tpu.memory_space<vmem>> -> memref<1x128xi32, #tpu.memory_space<vmem>>
        %dma_wait3A_55 = tpu.memref_squeeze %dma_wait3A_54 : memref<1x128xi32, #tpu.memory_space<vmem>> -> memref<128xi32, #tpu.memory_space<vmem>>
        %dma_wait3A_56 = arith.constant 0 : i32
        %dma_wait3A_57 = arith.constant 0 : i32
        %dma_wait3A_58 = tpu.memref_slice %arg2[%dma_wait3A_56, %dma_wait3A_57] : memref<10240x128xf32, #tpu.memory_space<hbm>> -> memref<10240x128xf32, #tpu.memory_space<hbm>>
        tpu.wait_indirect_dma semaphore(%arg11 : memref<!tpu.dma_semaphore, #tpu.memory_space<semaphore_mem>>) src(%dma_wait3A_58 : memref<10240x128xf32, #tpu.memory_space<hbm>>) dst(%arg9 : memref<128x128xf32, #tpu.memory_space<vmem>>)
        "tpu.region"() ({
          %run_scoped3A = tpu.sem_alloc : memref<!tpu.dma_semaphore, #tpu.memory_space<semaphore_mem>>
          %dma_start3A_59 = arith.constant 0 : i32
          %dma_start3A_60 = tpu.memref_slice %arg8[%scan3A_46, %dma_start3A_59] : memref<40x128xi32, #tpu.memory_space<vmem>> -> memref<1x128xi32, #tpu.memory_space<vmem>>
          %dma_start3A_61 = tpu.memref_squeeze %dma_start3A_60 : memref<1x128xi32, #tpu.memory_space<vmem>> -> memref<128xi32, #tpu.memory_space<vmem>>
          %dma_start3A_62 = arith.constant 0 : i32
          %dma_start3A_63 = arith.constant 0 : i32
          %dma_start3A_64 = tpu.memref_slice %arg10[%dma_start3A_62, %dma_start3A_63] : memref<10240x128xf32, #tpu.memory_space<vmem_shared>> -> memref<10240x128xf32, #tpu.memory_space<vmem_shared>>
          tpu.enqueue_indirect_dma source(%arg9 : memref<128x128xf32, #tpu.memory_space<vmem>>) target(%dma_start3A_64 : memref<10240x128xf32, #tpu.memory_space<vmem_shared>>) offsets(%dma_start3A_61 : memref<128xi32, #tpu.memory_space<vmem>>) semaphore(%run_scoped3A : memref<!tpu.dma_semaphore, #tpu.memory_space<semaphore_mem>>) {add = true}
          %dma_wait3A_65 = arith.constant 0 : i32
          %dma_wait3A_66 = tpu.memref_slice %arg8[%scan3A_46, %dma_wait3A_65] : memref<40x128xi32, #tpu.memory_space<vmem>> -> memref<1x128xi32, #tpu.memory_space<vmem>>
          %dma_wait3A_67 = tpu.memref_squeeze %dma_wait3A_66 : memref<1x128xi32, #tpu.memory_space<vmem>> -> memref<128xi32, #tpu.memory_space<vmem>>
          %dma_wait3A_68 = arith.constant 0 : i32
          %dma_wait3A_69 = arith.constant 0 : i32
          %dma_wait3A_70 = tpu.memref_slice %arg10[%dma_wait3A_68, %dma_wait3A_69] : memref<10240x128xf32, #tpu.memory_space<vmem_shared>> -> memref<10240x128xf32, #tpu.memory_space<vmem_shared>>
          tpu.wait_indirect_dma semaphore(%run_scoped3A : memref<!tpu.dma_semaphore, #tpu.memory_space<semaphore_mem>>) src(%arg9 : memref<128x128xf32, #tpu.memory_space<vmem>>) dst(%dma_wait3A_70 : memref<10240x128xf32, #tpu.memory_space<vmem_shared>>)
          tpu.yield
        }) : () -> ()
      }
      %scan3A_45 = arith.constant 40 : i32
    }
    %scan3A_7 = arith.constant 2 : i32
    %barrier3A_8 = arith.constant 0 : index
    tpu.barrier barrier_id(%barrier3A_8)
    "tpu.region"() ({
      %run_scoped3A = tpu.sem_alloc : memref<!tpu.dma_semaphore, #tpu.memory_space<semaphore_mem>>
      %dma_start3A = arith.constant 0 : i32
      %dma_start3A_9 = tpu.memref_slice %arg6[%arg0, %mul3A_2, %dma_start3A] : memref<2x10240x128xf32, #tpu.memory_space<hbm>> -> memref<1x640x128xf32, #tpu.memory_space<hbm>>
      %dma_start3A_10 = tpu.memref_squeeze %dma_start3A_9 : memref<1x640x128xf32, #tpu.memory_space<hbm>> -> memref<640x128xf32, #tpu.memory_space<hbm>>
      %dma_start3A_11 = arith.constant 0 : i32
      %dma_start3A_12 = tpu.memref_slice %arg10[%mul3A_2, %dma_start3A_11] : memref<10240x128xf32, #tpu.memory_space<vmem_shared>> -> memref<640x128xf32, #tpu.memory_space<vmem_shared>>
      tpu.enqueue_dma source(%dma_start3A_12 : memref<640x128xf32, #tpu.memory_space<vmem_shared>>) target(%dma_start3A_10 : memref<640x128xf32, #tpu.memory_space<hbm>>) target_semaphore(%run_scoped3A : memref<!tpu.dma_semaphore, #tpu.memory_space<semaphore_mem>>)
      %dma_wait3A = arith.constant 0 : i32
      %dma_wait3A_13 = tpu.memref_slice %arg6[%arg0, %mul3A_2, %dma_wait3A] : memref<2x10240x128xf32, #tpu.memory_space<hbm>> -> memref<1x640x128xf32, #tpu.memory_space<hbm>>
      %dma_wait3A_14 = tpu.memref_squeeze %dma_wait3A_13 : memref<1x640x128xf32, #tpu.memory_space<hbm>> -> memref<640x128xf32, #tpu.memory_space<hbm>>
      %dma_wait3A_15 = arith.constant 0 : i32
      %dma_wait3A_16 = tpu.memref_slice %arg10[%mul3A_2, %dma_wait3A_15] : memref<10240x128xf32, #tpu.memory_space<vmem_shared>> -> memref<640x128xf32, #tpu.memory_space<vmem_shared>>
      tpu.wait_dma2 semaphore(%run_scoped3A : memref<!tpu.dma_semaphore, #tpu.memory_space<semaphore_mem>>) src(%dma_wait3A_16 : memref<640x128xf32, #tpu.memory_space<vmem_shared>>) dst(%dma_wait3A_14 : memref<640x128xf32, #tpu.memory_space<hbm>>)
      tpu.yield
    }) : () -> ()
    return
  }
}

#map = affine_map<(d0, d1) -> (0, 0)>
#map1 = affine_map<(d0, d1) -> (0, 0, 0, 0)>
#map2 = affine_map<(d0, d1) -> (0, 0, 0)>
module attributes {stable_mosaic.version = 14 : i64} {
  func.func @_segment_sum_body(%arg0: i32, %arg1: i32, %arg2: memref<10240x128xf32, #tpu.memory_space<hbm>>, %arg3: memref<32x2x40x128xi32, #tpu.memory_space<hbm>>, %arg4: memref<32x2x40x128xi32, #tpu.memory_space<hbm>>, %arg5: memref<10240x128xf32, #tpu.memory_space<hbm>>, %arg6: memref<2x10240x128xf32, #tpu.memory_space<hbm>>, %arg7: memref<40x128xi32, #tpu.memory_space<vmem>>, %arg8: memref<40x128xi32, #tpu.memory_space<vmem>>, %arg9: memref<128x128xf32, #tpu.memory_space<vmem>>, %arg10: memref<10240x128xf32, #tpu.memory_space<vmem_shared>>, %arg11: memref<!tpu.dma_semaphore, #tpu.memory_space<semaphore_mem>>) attributes {dimension_semantics = [#tpu.dimension_semantics<core_parallel>, #tpu.dimension_semantics<subcore_parallel>], iteration_bounds = array<i64: 2, 16>, scalar_prefetch = 0 : i64, scratch_operands = 5 : i64, tpu.core_type = #tpu.core_type<sc_vector_subcore>, window_params = [{transform_indices = #map}, {transform_indices = #map1}, {transform_indices = #map1}, {transform_indices = #map}, {transform_indices = #map2}]} {
    %mul3A = arith.constant 16 : i32
    %mul3A_0 = arith.muli %arg0, %mul3A : i32
    %add3A = arith.addi %mul3A_0, %arg1 : i32
    %mul3A_1 = arith.constant 640 : i32
    %mul3A_2 = arith.muli %arg1, %mul3A_1 : i32
    "tpu.region"() ({
      %run_scoped3A = tpu.sem_alloc : memref<!tpu.dma_semaphore, #tpu.memory_space<semaphore_mem>>
      %dma_start3A = arith.constant 0 : i32
      %dma_start3A_9 = tpu.memref_slice %arg10[%mul3A_2, %dma_start3A] : memref<10240x128xf32, #tpu.memory_space<vmem_shared>> -> memref<640x128xf32, #tpu.memory_space<vmem_shared>>
      %dma_start3A_10 = arith.constant 0 : i32
      %dma_start3A_11 = tpu.memref_slice %arg5[%mul3A_2, %dma_start3A_10] : memref<10240x128xf32, #tpu.memory_space<hbm>> -> memref<640x128xf32, #tpu.memory_space<hbm>>
      tpu.enqueue_dma source(%dma_start3A_11 : memref<640x128xf32, #tpu.memory_space<hbm>>) target(%dma_start3A_9 : memref<640x128xf32, #tpu.memory_space<vmem_shared>>) target_semaphore(%run_scoped3A : memref<!tpu.dma_semaphore, #tpu.memory_space<semaphore_mem>>)
      %dma_wait3A = arith.constant 0 : i32
      %dma_wait3A_12 = tpu.memref_slice %arg10[%mul3A_2, %dma_wait3A] : memref<10240x128xf32, #tpu.memory_space<vmem_shared>> -> memref<640x128xf32, #tpu.memory_space<vmem_shared>>
      %dma_wait3A_13 = arith.constant 0 : i32
      %dma_wait3A_14 = tpu.memref_slice %arg5[%mul3A_2, %dma_wait3A_13] : memref<10240x128xf32, #tpu.memory_space<hbm>> -> memref<640x128xf32, #tpu.memory_space<hbm>>
      tpu.wait_dma2 semaphore(%run_scoped3A : memref<!tpu.dma_semaphore, #tpu.memory_space<semaphore_mem>>) src(%dma_wait3A_14 : memref<640x128xf32, #tpu.memory_space<hbm>>) dst(%dma_wait3A_12 : memref<640x128xf32, #tpu.memory_space<vmem_shared>>)
      tpu.yield
    }) : () -> ()
    %barrier3A = arith.constant 0 : index
    tpu.barrier barrier_id(%barrier3A)
    %scan3A = arith.constant 0 : i32
    %scan3A_3 = arith.constant 0 : i32
    %scan3A_4 = arith.constant 2 : i32
    %scan3A_5 = arith.addi %scan3A_3, %scan3A_4 : i32
    %scan3A_6 = arith.constant 1 : i32
    scf.for %scan3A_9 = %scan3A_3 to %scan3A_5 step %scan3A_6  : i32 {
      %dma_start3A = arith.constant 0 : i32
      %dma_start3A_10 = arith.constant 0 : i32
      %dma_start3A_11 = tpu.memref_slice %arg3[%add3A, %scan3A_9, %dma_start3A, %dma_start3A_10] : memref<32x2x40x128xi32, #tpu.memory_space<hbm>> -> memref<1x1x40x128xi32, #tpu.memory_space<hbm>>
      %dma_start3A_12 = tpu.memref_squeeze %dma_start3A_11 : memref<1x1x40x128xi32, #tpu.memory_space<hbm>> -> memref<40x128xi32, #tpu.memory_space<hbm>>
      %dma_start3A_13 = arith.constant 0 : i32
      %dma_start3A_14 = arith.constant 0 : i32
      %dma_start3A_15 = tpu.memref_slice %arg3[%add3A, %scan3A_9, %dma_start3A_13, %dma_start3A_14] : memref<32x2x40x128xi32, #tpu.memory_space<hbm>> -> memref<1x1x40x128xi32, #tpu.memory_space<hbm>>
      %dma_start3A_16 = tpu.memref_squeeze %dma_start3A_15 : memref<1x1x40x128xi32, #tpu.memory_space<hbm>> -> memref<40x128xi32, #tpu.memory_space<hbm>>
      tpu.enqueue_dma source(%dma_start3A_16 : memref<40x128xi32, #tpu.memory_space<hbm>>) target(%arg7 : memref<40x128xi32, #tpu.memory_space<vmem>>) target_semaphore(%arg11 : memref<!tpu.dma_semaphore, #tpu.memory_space<semaphore_mem>>)
      %dma_start3A_17 = arith.constant 0 : i32
      %dma_start3A_18 = arith.constant 0 : i32
      %dma_start3A_19 = tpu.memref_slice %arg4[%add3A, %scan3A_9, %dma_start3A_17, %dma_start3A_18] : memref<32x2x40x128xi32, #tpu.memory_space<hbm>> -> memref<1x1x40x128xi32, #tpu.memory_space<hbm>>
      %dma_start3A_20 = tpu.memref_squeeze %dma_start3A_19 : memref<1x1x40x128xi32, #tpu.memory_space<hbm>> -> memref<40x128xi32, #tpu.memory_space<hbm>>
      %dma_start3A_21 = arith.constant 0 : i32
      %dma_start3A_22 = arith.constant 0 : i32
      %dma_start3A_23 = tpu.memref_slice %arg4[%add3A, %scan3A_9, %dma_start3A_21, %dma_start3A_22] : memref<32x2x40x128xi32, #tpu.memory_space<hbm>> -> memref<1x1x40x128xi32, #tpu.memory_space<hbm>>
      %dma_start3A_24 = tpu.memref_squeeze %dma_start3A_23 : memref<1x1x40x128xi32, #tpu.memory_space<hbm>> -> memref<40x128xi32, #tpu.memory_space<hbm>>
      tpu.enqueue_dma source(%dma_start3A_24 : memref<40x128xi32, #tpu.memory_space<hbm>>) target(%arg8 : memref<40x128xi32, #tpu.memory_space<vmem>>) target_semaphore(%arg11 : memref<!tpu.dma_semaphore, #tpu.memory_space<semaphore_mem>>)
      %dma_wait3A = arith.constant 0 : i32
      %dma_wait3A_25 = arith.constant 0 : i32
      %dma_wait3A_26 = tpu.memref_slice %arg3[%add3A, %scan3A_9, %dma_wait3A, %dma_wait3A_25] : memref<32x2x40x128xi32, #tpu.memory_space<hbm>> -> memref<1x1x40x128xi32, #tpu.memory_space<hbm>>
      %dma_wait3A_27 = tpu.memref_squeeze %dma_wait3A_26 : memref<1x1x40x128xi32, #tpu.memory_space<hbm>> -> memref<40x128xi32, #tpu.memory_space<hbm>>
      %dma_wait3A_28 = arith.constant 0 : i32
      %dma_wait3A_29 = arith.constant 0 : i32
      %dma_wait3A_30 = tpu.memref_slice %arg3[%add3A, %scan3A_9, %dma_wait3A_28, %dma_wait3A_29] : memref<32x2x40x128xi32, #tpu.memory_space<hbm>> -> memref<1x1x40x128xi32, #tpu.memory_space<hbm>>
      %dma_wait3A_31 = tpu.memref_squeeze %dma_wait3A_30 : memref<1x1x40x128xi32, #tpu.memory_space<hbm>> -> memref<40x128xi32, #tpu.memory_space<hbm>>
      tpu.wait_dma2 semaphore(%arg11 : memref<!tpu.dma_semaphore, #tpu.memory_space<semaphore_mem>>) src(%dma_wait3A_31 : memref<40x128xi32, #tpu.memory_space<hbm>>) dst(%arg7 : memref<40x128xi32, #tpu.memory_space<vmem>>)
      %dma_wait3A_32 = arith.constant 0 : i32
      %dma_wait3A_33 = arith.constant 0 : i32
      %dma_wait3A_34 = tpu.memref_slice %arg4[%add3A, %scan3A_9, %dma_wait3A_32, %dma_wait3A_33] : memref<32x2x40x128xi32, #tpu.memory_space<hbm>> -> memref<1x1x40x128xi32, #tpu.memory_space<hbm>>
      %dma_wait3A_35 = tpu.memref_squeeze %dma_wait3A_34 : memref<1x1x40x128xi32, #tpu.memory_space<hbm>> -> memref<40x128xi32, #tpu.memory_space<hbm>>
      %dma_wait3A_36 = arith.constant 0 : i32
      %dma_wait3A_37 = arith.constant 0 : i32
      %dma_wait3A_38 = tpu.memref_slice %arg4[%add3A, %scan3A_9, %dma_wait3A_36, %dma_wait3A_37] : memref<32x2x40x128xi32, #tpu.memory_space<hbm>> -> memref<1x1x40x128xi32, #tpu.memory_space<hbm>>
      %dma_wait3A_39 = tpu.memref_squeeze %dma_wait3A_38 : memref<1x1x40x128xi32, #tpu.memory_space<hbm>> -> memref<40x128xi32, #tpu.memory_space<hbm>>
      tpu.wait_dma2 semaphore(%arg11 : memref<!tpu.dma_semaphore, #tpu.memory_space<semaphore_mem>>) src(%dma_wait3A_39 : memref<40x128xi32, #tpu.memory_space<hbm>>) dst(%arg8 : memref<40x128xi32, #tpu.memory_space<vmem>>)
      %scan3A_40 = arith.constant 0 : i32
      %scan3A_41 = arith.constant 0 : i32
      %scan3A_42 = arith.constant 40 : i32
      %scan3A_43 = arith.addi %scan3A_41, %scan3A_42 : i32
      %scan3A_44 = arith.constant 1 : i32
      scf.for %scan3A_46 = %scan3A_41 to %scan3A_43 step %scan3A_44  : i32 {
        %dma_start3A_47 = arith.constant 0 : i32
        %dma_start3A_48 = tpu.memref_slice %arg7[%scan3A_46, %dma_start3A_47] : memref<40x128xi32, #tpu.memory_space<vmem>> -> memref<1x128xi32, #tpu.memory_space<vmem>>
        %dma_start3A_49 = tpu.memref_squeeze %dma_start3A_48 : memref<1x128xi32, #tpu.memory_space<vmem>> -> memref<128xi32, #tpu.memory_space<vmem>>
        %dma_start3A_50 = arith.constant 0 : i32
        %dma_start3A_51 = arith.constant 0 : i32
        %dma_start3A_52 = tpu.memref_slice %arg2[%dma_start3A_50, %dma_start3A_51] : memref<10240x128xf32, #tpu.memory_space<hbm>> -> memref<10240x128xf32, #tpu.memory_space<hbm>>
        tpu.enqueue_indirect_dma source(%dma_start3A_52 : memref<10240x128xf32, #tpu.memory_space<hbm>>) target(%arg9 : memref<128x128xf32, #tpu.memory_space<vmem>>) offsets(%dma_start3A_49 : memref<128xi32, #tpu.memory_space<vmem>>) semaphore(%arg11 : memref<!tpu.dma_semaphore, #tpu.memory_space<semaphore_mem>>)
        %dma_wait3A_53 = arith.constant 0 : i32
        %dma_wait3A_54 = tpu.memref_slice %arg7[%scan3A_46, %dma_wait3A_53] : memref<40x128xi32, #tpu.memory_space<vmem>> -> memref<1x128xi32, #tpu.memory_space<vmem>>
        %dma_wait3A_55 = tpu.memref_squeeze %dma_wait3A_54 : memref<1x128xi32, #tpu.memory_space<vmem>> -> memref<128xi32, #tpu.memory_space<vmem>>
        %dma_wait3A_56 = arith.constant 0 : i32
        %dma_wait3A_57 = arith.constant 0 : i32
        %dma_wait3A_58 = tpu.memref_slice %arg2[%dma_wait3A_56, %dma_wait3A_57] : memref<10240x128xf32, #tpu.memory_space<hbm>> -> memref<10240x128xf32, #tpu.memory_space<hbm>>
        tpu.wait_indirect_dma semaphore(%arg11 : memref<!tpu.dma_semaphore, #tpu.memory_space<semaphore_mem>>) src(%dma_wait3A_58 : memref<10240x128xf32, #tpu.memory_space<hbm>>) dst(%arg9 : memref<128x128xf32, #tpu.memory_space<vmem>>)
        "tpu.region"() ({
          %run_scoped3A = tpu.sem_alloc : memref<!tpu.dma_semaphore, #tpu.memory_space<semaphore_mem>>
          %dma_start3A_59 = arith.constant 0 : i32
          %dma_start3A_60 = tpu.memref_slice %arg8[%scan3A_46, %dma_start3A_59] : memref<40x128xi32, #tpu.memory_space<vmem>> -> memref<1x128xi32, #tpu.memory_space<vmem>>
          %dma_start3A_61 = tpu.memref_squeeze %dma_start3A_60 : memref<1x128xi32, #tpu.memory_space<vmem>> -> memref<128xi32, #tpu.memory_space<vmem>>
          %dma_start3A_62 = arith.constant 0 : i32
          %dma_start3A_63 = arith.constant 0 : i32
          %dma_start3A_64 = tpu.memref_slice %arg10[%dma_start3A_62, %dma_start3A_63] : memref<10240x128xf32, #tpu.memory_space<vmem_shared>> -> memref<10240x128xf32, #tpu.memory_space<vmem_shared>>
          tpu.enqueue_indirect_dma source(%arg9 : memref<128x128xf32, #tpu.memory_space<vmem>>) target(%dma_start3A_64 : memref<10240x128xf32, #tpu.memory_space<vmem_shared>>) offsets(%dma_start3A_61 : memref<128xi32, #tpu.memory_space<vmem>>) semaphore(%run_scoped3A : memref<!tpu.dma_semaphore, #tpu.memory_space<semaphore_mem>>) {add = true}
          %dma_wait3A_65 = arith.constant 0 : i32
          %dma_wait3A_66 = tpu.memref_slice %arg8[%scan3A_46, %dma_wait3A_65] : memref<40x128xi32, #tpu.memory_space<vmem>> -> memref<1x128xi32, #tpu.memory_space<vmem>>
          %dma_wait3A_67 = tpu.memref_squeeze %dma_wait3A_66 : memref<1x128xi32, #tpu.memory_space<vmem>> -> memref<128xi32, #tpu.memory_space<vmem>>
          %dma_wait3A_68 = arith.constant 0 : i32
          %dma_wait3A_69 = arith.constant 0 : i32
          %dma_wait3A_70 = tpu.memref_slice %arg10[%dma_wait3A_68, %dma_wait3A_69] : memref<10240x128xf32, #tpu.memory_space<vmem_shared>> -> memref<10240x128xf32, #tpu.memory_space<vmem_shared>>
          tpu.wait_indirect_dma semaphore(%run_scoped3A : memref<!tpu.dma_semaphore, #tpu.memory_space<semaphore_mem>>) src(%arg9 : memref<128x128xf32, #tpu.memory_space<vmem>>) dst(%dma_wait3A_70 : memref<10240x128xf32, #tpu.memory_space<vmem_shared>>)
          tpu.yield
        }) : () -> ()
      }
      %scan3A_45 = arith.constant 40 : i32
    }
    %scan3A_7 = arith.constant 2 : i32
    %barrier3A_8 = arith.constant 0 : index
    tpu.barrier barrier_id(%barrier3A_8)
    "tpu.region"() ({
      %run_scoped3A = tpu.sem_alloc : memref<!tpu.dma_semaphore, #tpu.memory_space<semaphore_mem>>
      %dma_start3A = arith.constant 0 : i32
      %dma_start3A_9 = tpu.memref_slice %arg6[%arg0, %mul3A_2, %dma_start3A] : memref<2x10240x128xf32, #tpu.memory_space<hbm>> -> memref<1x640x128xf32, #tpu.memory_space<hbm>>
      %dma_start3A_10 = tpu.memref_squeeze %dma_start3A_9 : memref<1x640x128xf32, #tpu.memory_space<hbm>> -> memref<640x128xf32, #tpu.memory_space<hbm>>
      %dma_start3A_11 = arith.constant 0 : i32
      %dma_start3A_12 = tpu.memref_slice %arg10[%mul3A_2, %dma_start3A_11] : memref<10240x128xf32, #tpu.memory_space<vmem_shared>> -> memref<640x128xf32, #tpu.memory_space<vmem_shared>>
      tpu.enqueue_dma source(%dma_start3A_12 : memref<640x128xf32, #tpu.memory_space<vmem_shared>>) target(%dma_start3A_10 : memref<640x128xf32, #tpu.memory_space<hbm>>) target_semaphore(%run_scoped3A : memref<!tpu.dma_semaphore, #tpu.memory_space<semaphore_mem>>)
      %dma_wait3A = arith.constant 0 : i32
      %dma_wait3A_13 = tpu.memref_slice %arg6[%arg0, %mul3A_2, %dma_wait3A] : memref<2x10240x128xf32, #tpu.memory_space<hbm>> -> memref<1x640x128xf32, #tpu.memory_space<hbm>>
      %dma_wait3A_14 = tpu.memref_squeeze %dma_wait3A_13 : memref<1x640x128xf32, #tpu.memory_space<hbm>> -> memref<640x128xf32, #tpu.memory_space<hbm>>
      %dma_wait3A_15 = arith.constant 0 : i32
      %dma_wait3A_16 = tpu.memref_slice %arg10[%mul3A_2, %dma_wait3A_15] : memref<10240x128xf32, #tpu.memory_space<vmem_shared>> -> memref<640x128xf32, #tpu.memory_space<vmem_shared>>
      tpu.wait_dma2 semaphore(%run_scoped3A : memref<!tpu.dma_semaphore, #tpu.memory_space<semaphore_mem>>) src(%dma_wait3A_16 : memref<640x128xf32, #tpu.memory_space<vmem_shared>>) dst(%dma_wait3A_14 : memref<640x128xf32, #tpu.memory_space<hbm>>)
      tpu.yield
    }) : () -> ()
    return
  }
}

module attributes {stable_mosaic.version = 14 : i64} {
  func.func @_mm1_body(%arg0: i32, %arg1: memref<10000x128xf32, #tpu.memory_space<vmem>>, %arg2: memref<128x128xf32, #tpu.memory_space<vmem>>, %arg3: memref<2x10000x8xf32, #tpu.memory_space<vmem>>, %arg4: memref<10000x128xf32, #tpu.memory_space<vmem>>) attributes {dimension_semantics = [#tpu.dimension_semantics<arbitrary>], iteration_bounds = array<i64: 1>, scalar_prefetch = 0 : i64, scratch_operands = 0 : i64, tpu.core_type = #tpu.core_type<tc>, window_params = [{transform_indices = @transform_0, window_bounds = array<i64: 10000, 128>}, {pipeline_mode = #tpu.pipeline_mode<synchronous>, transform_indices = @transform_1, window_bounds = array<i64: 128, 128>}, {transform_indices = @transform_2, window_bounds = array<i64: 2, 10000, 8>}, {transform_indices = @transform_3, window_bounds = array<i64: 10000, 128>}]} {
    %get3A = arith.constant 0 : index
    %get3A_0 = arith.constant 0 : index
    %get3A_1 = arith.constant 0 : index
    %get3A_2 = vector.load %arg3[%get3A, %get3A_0, %get3A_1] : memref<2x10000x8xf32, #tpu.memory_space<vmem>>, vector<1x10000x8xf32>
    %get3A_3 = vector.shape_cast %get3A_2 : vector<1x10000x8xf32> to vector<10000x8xf32>
    %get3A_4 = arith.constant 1 : index
    %get3A_5 = arith.constant 0 : index
    %get3A_6 = arith.constant 0 : index
    %get3A_7 = vector.load %arg3[%get3A_4, %get3A_5, %get3A_6] : memref<2x10000x8xf32, #tpu.memory_space<vmem>>, vector<1x10000x8xf32>
    %get3A_8 = vector.shape_cast %get3A_7 : vector<1x10000x8xf32> to vector<10000x8xf32>
    %add3A = arith.addf %get3A_3, %get3A_8 : vector<10000x8xf32>
    %slice3A = vector.extract_strided_slice %add3A {offsets = [0, 0], sizes = [10000, 1], strides = [1, 1]} : vector<10000x8xf32> to vector<10000x1xf32>
    %max3A = arith.constant 1.000000e+00 : f32
    %max3A_9 = vector.broadcast %max3A : f32 to vector<10000x1xf32>
    %max3A_10 = arith.maximumf %slice3A, %max3A_9 : vector<10000x1xf32>
    %rsqrt3A = math.rsqrt %max3A_10 : vector<10000x1xf32>
    %get3A_11 = arith.constant 0 : index
    %get3A_12 = arith.constant 0 : index
    %get3A_13 = vector.load %arg1[%get3A_11, %get3A_12] : memref<10000x128xf32, #tpu.memory_space<vmem>>, vector<10000x128xf32>
    %mul3A = vector.broadcast %rsqrt3A : vector<10000x1xf32> to vector<10000x128xf32>
    %mul3A_14 = arith.mulf %get3A_13, %mul3A : vector<10000x128xf32>
    %get3A_15 = arith.constant 0 : index
    %get3A_16 = arith.constant 0 : index
    %get3A_17 = vector.load %arg2[%get3A_15, %get3A_16] : memref<128x128xf32, #tpu.memory_space<vmem>>, vector<128x128xf32>
    %dot_general3A = arith.constant dense<0.000000e+00> : vector<10000x128xf32>
    %dot_general3A_18 = tpu.matmul %mul3A_14, %get3A_17, %dot_general3A {dimension_numbers = #tpu.dot_dimension_numbers<[1], [0], [0], [1], [0, 0, 1, 1], [], []>, transpose_lhs_hint = false} : vector<10000x128xf32>, vector<128x128xf32>, vector<10000x128xf32> -> vector<10000x128xf32>
    %swap3A = arith.constant 0 : index
    %swap3A_19 = arith.constant 0 : index
    %swap3A_20 = vector.load %arg4[%swap3A, %swap3A_19] : memref<10000x128xf32, #tpu.memory_space<vmem>>, vector<10000x128xf32>
    tpu.vector_store %arg4[%swap3A, %swap3A_19], %dot_general3A_18 {strides = array<i32>} : memref<10000x128xf32, #tpu.memory_space<vmem>>, vector<10000x128xf32>,
    return
  }
  func.func @transform_0(%arg0: i32) -> (i32, i32) {
    %c0_i32 = arith.constant 0 : i32
    %c0_i32_0 = arith.constant 0 : i32
    return %arg0, %c0_i32 : i32, i32
  }
  func.func @transform_1(%arg0: i32) -> (i32, i32) {
    %c0_i32 = arith.constant 0 : i32
    %c0_i32_0 = arith.constant 0 : i32
    %c0_i32_1 = arith.constant 0 : i32
    return %c0_i32, %c0_i32_0 : i32, i32
  }
  func.func @transform_2(%arg0: i32) -> (i32, i32, i32) {
    %c0_i32 = arith.constant 0 : i32
    %c0_i32_0 = arith.constant 0 : i32
    %c0_i32_1 = arith.constant 0 : i32
    return %c0_i32, %arg0, %c0_i32_0 : i32, i32, i32
  }
  func.func @transform_3(%arg0: i32) -> (i32, i32) {
    %c0_i32 = arith.constant 0 : i32
    %c0_i32_0 = arith.constant 0 : i32
    return %arg0, %c0_i32 : i32, i32
  }
}

module attributes {stable_mosaic.version = 14 : i64} {
  func.func @_mm2_body(%arg0: i32, %arg1: memref<2x10000x128xf32, #tpu.memory_space<vmem>>, %arg2: memref<2x10000x8xf32, #tpu.memory_space<vmem>>, %arg3: memref<1x128xf32, #tpu.memory_space<vmem>>, %arg4: memref<128x128xf32, #tpu.memory_space<vmem>>, %arg5: memref<10000x128xf32, #tpu.memory_space<vmem>>) attributes {dimension_semantics = [#tpu.dimension_semantics<arbitrary>], iteration_bounds = array<i64: 1>, scalar_prefetch = 0 : i64, scratch_operands = 0 : i64, tpu.core_type = #tpu.core_type<tc>, window_params = [{transform_indices = @transform_0, window_bounds = array<i64: 2, 10000, 128>}, {transform_indices = @transform_1, window_bounds = array<i64: 2, 10000, 8>}, {pipeline_mode = #tpu.pipeline_mode<synchronous>, transform_indices = @transform_2, window_bounds = array<i64: 1, 128>}, {pipeline_mode = #tpu.pipeline_mode<synchronous>, transform_indices = @transform_3, window_bounds = array<i64: 128, 128>}, {transform_indices = @transform_4, window_bounds = array<i64: 10000, 128>}]} {
    %get3A = arith.constant 0 : index
    %get3A_0 = arith.constant 0 : index
    %get3A_1 = arith.constant 0 : index
    %get3A_2 = vector.load %arg1[%get3A, %get3A_0, %get3A_1] : memref<2x10000x128xf32, #tpu.memory_space<vmem>>, vector<1x10000x128xf32>
    %get3A_3 = vector.shape_cast %get3A_2 : vector<1x10000x128xf32> to vector<10000x128xf32>
    %get3A_4 = arith.constant 1 : index
    %get3A_5 = arith.constant 0 : index
    %get3A_6 = arith.constant 0 : index
    %get3A_7 = vector.load %arg1[%get3A_4, %get3A_5, %get3A_6] : memref<2x10000x128xf32, #tpu.memory_space<vmem>>, vector<1x10000x128xf32>
    %get3A_8 = vector.shape_cast %get3A_7 : vector<1x10000x128xf32> to vector<10000x128xf32>
    %add3A = arith.addf %get3A_3, %get3A_8 : vector<10000x128xf32>
    %get3A_9 = arith.constant 0 : index
    %get3A_10 = arith.constant 0 : index
    %get3A_11 = arith.constant 0 : index
    %get3A_12 = vector.load %arg2[%get3A_9, %get3A_10, %get3A_11] : memref<2x10000x8xf32, #tpu.memory_space<vmem>>, vector<1x10000x8xf32>
    %get3A_13 = vector.shape_cast %get3A_12 : vector<1x10000x8xf32> to vector<10000x8xf32>
    %get3A_14 = arith.constant 1 : index
    %get3A_15 = arith.constant 0 : index
    %get3A_16 = arith.constant 0 : index
    %get3A_17 = vector.load %arg2[%get3A_14, %get3A_15, %get3A_16] : memref<2x10000x8xf32, #tpu.memory_space<vmem>>, vector<1x10000x8xf32>
    %get3A_18 = vector.shape_cast %get3A_17 : vector<1x10000x8xf32> to vector<10000x8xf32>
    %add3A_19 = arith.addf %get3A_13, %get3A_18 : vector<10000x8xf32>
    %slice3A = vector.extract_strided_slice %add3A_19 {offsets = [0, 1], sizes = [10000, 1], strides = [1, 1]} : vector<10000x8xf32> to vector<10000x1xf32>
    %max3A = arith.constant 1.000000e+00 : f32
    %max3A_20 = vector.broadcast %max3A : f32 to vector<10000x1xf32>
    %max3A_21 = arith.maximumf %slice3A, %max3A_20 : vector<10000x1xf32>
    %rsqrt3A = math.rsqrt %max3A_21 : vector<10000x1xf32>
    %slice3A_22 = vector.extract_strided_slice %add3A_19 {offsets = [0, 0], sizes = [10000, 1], strides = [1, 1]} : vector<10000x8xf32> to vector<10000x1xf32>
    %max3A_23 = arith.constant 1.000000e+00 : f32
    %max3A_24 = vector.broadcast %max3A_23 : f32 to vector<10000x1xf32>
    %max3A_25 = arith.maximumf %slice3A_22, %max3A_24 : vector<10000x1xf32>
    %rsqrt3A_26 = math.rsqrt %max3A_25 : vector<10000x1xf32>
    %mul3A = vector.broadcast %rsqrt3A : vector<10000x1xf32> to vector<10000x128xf32>
    %mul3A_27 = arith.mulf %add3A, %mul3A : vector<10000x128xf32>
    %get3A_28 = arith.constant 0 : index
    %get3A_29 = arith.constant 0 : index
    %get3A_30 = vector.load %arg3[%get3A_28, %get3A_29] : memref<1x128xf32, #tpu.memory_space<vmem>>, vector<1x128xf32>
    %add3A_31 = vector.broadcast %get3A_30 : vector<1x128xf32> to vector<10000x128xf32>
    %add3A_32 = arith.addf %mul3A_27, %add3A_31 : vector<10000x128xf32>
    %max3A_33 = arith.constant 0.000000e+00 : f32
    %max3A_34 = vector.broadcast %max3A_33 : f32 to vector<10000x128xf32>
    %max3A_35 = arith.maximumf %add3A_32, %max3A_34 : vector<10000x128xf32>
    %mul3A_36 = vector.broadcast %rsqrt3A_26 : vector<10000x1xf32> to vector<10000x128xf32>
    %mul3A_37 = arith.mulf %max3A_35, %mul3A_36 : vector<10000x128xf32>
    %get3A_38 = arith.constant 0 : index
    %get3A_39 = arith.constant 0 : index
    %get3A_40 = vector.load %arg4[%get3A_38, %get3A_39] : memref<128x128xf32, #tpu.memory_space<vmem>>, vector<128x128xf32>
    %dot_general3A = arith.constant dense<0.000000e+00> : vector<10000x128xf32>
    %dot_general3A_41 = tpu.matmul %mul3A_37, %get3A_40, %dot_general3A {dimension_numbers = #tpu.dot_dimension_numbers<[1], [0], [0], [1], [0, 0, 1, 1], [], []>, transpose_lhs_hint = false} : vector<10000x128xf32>, vector<128x128xf32>, vector<10000x128xf32> -> vector<10000x128xf32>
    %swap3A = arith.constant 0 : index
    %swap3A_42 = arith.constant 0 : index
    %swap3A_43 = vector.load %arg5[%swap3A, %swap3A_42] : memref<10000x128xf32, #tpu.memory_space<vmem>>, vector<10000x128xf32>
    tpu.vector_store %arg5[%swap3A, %swap3A_42], %dot_general3A_41 {strides = array<i32>} : memref<10000x128xf32, #tpu.memory_space<vmem>>, vector<10000x128xf32>,
    return
  }
  func.func @transform_0(%arg0: i32) -> (i32, i32, i32) {
    %c0_i32 = arith.constant 0 : i32
    %c0_i32_0 = arith.constant 0 : i32
    %c0_i32_1 = arith.constant 0 : i32
    return %c0_i32, %arg0, %c0_i32_0 : i32, i32, i32
  }
  func.func @transform_1(%arg0: i32) -> (i32, i32, i32) {
    %c0_i32 = arith.constant 0 : i32
    %c0_i32_0 = arith.constant 0 : i32
    %c0_i32_1 = arith.constant 0 : i32
    return %c0_i32, %arg0, %c0_i32_0 : i32, i32, i32
  }
  func.func @transform_2(%arg0: i32) -> (i32, i32) {
    %c0_i32 = arith.constant 0 : i32
    %c0_i32_0 = arith.constant 0 : i32
    %c0_i32_1 = arith.constant 0 : i32
    return %c0_i32, %c0_i32_0 : i32, i32
  }
  func.func @transform_3(%arg0: i32) -> (i32, i32) {
    %c0_i32 = arith.constant 0 : i32
    %c0_i32_0 = arith.constant 0 : i32
    %c0_i32_1 = arith.constant 0 : i32
    return %c0_i32, %c0_i32_0 : i32, i32
  }
  func.func @transform_4(%arg0: i32) -> (i32, i32) {
    %c0_i32 = arith.constant 0 : i32
    %c0_i32_0 = arith.constant 0 : i32
    return %arg0, %c0_i32 : i32, i32
  }
}

module attributes {stable_mosaic.version = 14 : i64} {
  func.func @_final_body(%arg0: i32, %arg1: memref<2x10000x128xf32, #tpu.memory_space<vmem>>, %arg2: memref<2x10000x8xf32, #tpu.memory_space<vmem>>, %arg3: memref<1x128xf32, #tpu.memory_space<vmem>>, %arg4: memref<128x16xf32, #tpu.memory_space<vmem>>, %arg5: memref<1x16xf32, #tpu.memory_space<vmem>>, %arg6: memref<1x16xf32, #tpu.memory_space<vmem>>, %arg7: memref<1x128xf32, #tpu.memory_space<vmem>>, %arg8: memref<1x128xf32, #tpu.memory_space<vmem>>) attributes {dimension_semantics = [#tpu.dimension_semantics<arbitrary>], iteration_bounds = array<i64: 1>, scalar_prefetch = 0 : i64, scratch_operands = 1 : i64, tpu.core_type = #tpu.core_type<tc>, window_params = [{transform_indices = @transform_0, window_bounds = array<i64: 2, 10000, 128>}, {transform_indices = @transform_1, window_bounds = array<i64: 2, 10000, 8>}, {pipeline_mode = #tpu.pipeline_mode<synchronous>, transform_indices = @transform_2, window_bounds = array<i64: 1, 128>}, {pipeline_mode = #tpu.pipeline_mode<synchronous>, transform_indices = @transform_3, window_bounds = array<i64: 128, 16>}, {pipeline_mode = #tpu.pipeline_mode<synchronous>, transform_indices = @transform_4, window_bounds = array<i64: 1, 16>}, {pipeline_mode = #tpu.pipeline_mode<synchronous>, transform_indices = @transform_5, window_bounds = array<i64: 1, 16>}, {pipeline_mode = #tpu.pipeline_mode<synchronous>, transform_indices = @transform_6, window_bounds = array<i64: 1, 128>}]} {
    %get3A = arith.constant 0 : index
    %get3A_0 = arith.constant 0 : index
    %get3A_1 = arith.constant 0 : index
    %get3A_2 = vector.load %arg1[%get3A, %get3A_0, %get3A_1] : memref<2x10000x128xf32, #tpu.memory_space<vmem>>, vector<1x10000x128xf32>
    %get3A_3 = vector.shape_cast %get3A_2 : vector<1x10000x128xf32> to vector<10000x128xf32>
    %get3A_4 = arith.constant 1 : index
    %get3A_5 = arith.constant 0 : index
    %get3A_6 = arith.constant 0 : index
    %get3A_7 = vector.load %arg1[%get3A_4, %get3A_5, %get3A_6] : memref<2x10000x128xf32, #tpu.memory_space<vmem>>, vector<1x10000x128xf32>
    %get3A_8 = vector.shape_cast %get3A_7 : vector<1x10000x128xf32> to vector<10000x128xf32>
    %add3A = arith.addf %get3A_3, %get3A_8 : vector<10000x128xf32>
    %get3A_9 = arith.constant 0 : index
    %get3A_10 = arith.constant 0 : index
    %get3A_11 = arith.constant 0 : index
    %get3A_12 = vector.load %arg2[%get3A_9, %get3A_10, %get3A_11] : memref<2x10000x8xf32, #tpu.memory_space<vmem>>, vector<1x10000x8xf32>
    %get3A_13 = vector.shape_cast %get3A_12 : vector<1x10000x8xf32> to vector<10000x8xf32>
    %get3A_14 = arith.constant 1 : index
    %get3A_15 = arith.constant 0 : index
    %get3A_16 = arith.constant 0 : index
    %get3A_17 = vector.load %arg2[%get3A_14, %get3A_15, %get3A_16] : memref<2x10000x8xf32, #tpu.memory_space<vmem>>, vector<1x10000x8xf32>
    %get3A_18 = vector.shape_cast %get3A_17 : vector<1x10000x8xf32> to vector<10000x8xf32>
    %add3A_19 = arith.addf %get3A_13, %get3A_18 : vector<10000x8xf32>
    %slice3A = vector.extract_strided_slice %add3A_19 {offsets = [0, 1], sizes = [10000, 1], strides = [1, 1]} : vector<10000x8xf32> to vector<10000x1xf32>
    %max3A = arith.constant 1.000000e+00 : f32
    %max3A_20 = vector.broadcast %max3A : f32 to vector<10000x1xf32>
    %max3A_21 = arith.maximumf %slice3A, %max3A_20 : vector<10000x1xf32>
    %rsqrt3A = math.rsqrt %max3A_21 : vector<10000x1xf32>
    %mul3A = vector.broadcast %rsqrt3A : vector<10000x1xf32> to vector<10000x128xf32>
    %mul3A_22 = arith.mulf %add3A, %mul3A : vector<10000x128xf32>
    %get3A_23 = arith.constant 0 : index
    %get3A_24 = arith.constant 0 : index
    %get3A_25 = vector.load %arg3[%get3A_23, %get3A_24] : memref<1x128xf32, #tpu.memory_space<vmem>>, vector<1x128xf32>
    %add3A_26 = vector.broadcast %get3A_25 : vector<1x128xf32> to vector<10000x128xf32>
    %add3A_27 = arith.addf %mul3A_22, %add3A_26 : vector<10000x128xf32>
    %max3A_28 = arith.constant 0.000000e+00 : f32
    %max3A_29 = vector.broadcast %max3A_28 : f32 to vector<10000x128xf32>
    %max3A_30 = arith.maximumf %add3A_27, %max3A_29 : vector<10000x128xf32>
    %reduce_sum3A = arith.constant dense<0.000000e+00> : vector<128xf32>
    %reduce_sum3A_31 = vector.multi_reduction <add>, %max3A_30, %reduce_sum3A [0] : vector<10000x128xf32> to vector<128xf32>
    %broadcast_in_dim3A = vector.shape_cast %reduce_sum3A_31 : vector<128xf32> to vector<1x128xf32>
    %eq3A = arith.constant 0 : i32
    %eq3A_32 = arith.cmpi eq, %arg0, %eq3A : i32
    %convert_element_type3A = arith.extui %eq3A_32 : i1 to i32
    %cond3A = arith.constant 0 : i32
    %cond3A_33 = arith.cmpi ne, %convert_element_type3A, %cond3A : i32
    scf.if %cond3A_33 {
      %swap3A = arith.constant 0 : index
      %swap3A_43 = arith.constant 0 : index
      %swap3A_44 = vector.load %arg8[%swap3A, %swap3A_43] : memref<1x128xf32, #tpu.memory_space<vmem>>, vector<1x128xf32>
      tpu.vector_store %arg8[%swap3A, %swap3A_43], %broadcast_in_dim3A {strides = array<i32>} : memref<1x128xf32, #tpu.memory_space<vmem>>, vector<1x128xf32>,
    } else {
    }
    %ne3A = arith.constant 0 : i32
    %ne3A_34 = arith.cmpi ne, %arg0, %ne3A : i32
    %convert_element_type3A_35 = arith.extui %ne3A_34 : i1 to i32
    %cond3A_36 = arith.constant 0 : i32
    %cond3A_37 = arith.cmpi ne, %convert_element_type3A_35, %cond3A_36 : i32
    scf.if %cond3A_37 {
      %get3A_43 = arith.constant 0 : index
      %get3A_44 = arith.constant 0 : index
      %get3A_45 = vector.load %arg8[%get3A_43, %get3A_44] : memref<1x128xf32, #tpu.memory_space<vmem>>, vector<1x128xf32>
      %add3A_46 = arith.addf %get3A_45, %broadcast_in_dim3A : vector<1x128xf32>
      %swap3A = arith.constant 0 : index
      %swap3A_47 = arith.constant 0 : index
      %swap3A_48 = vector.load %arg8[%swap3A, %swap3A_47] : memref<1x128xf32, #tpu.memory_space<vmem>>, vector<1x128xf32>
      tpu.vector_store %arg8[%swap3A, %swap3A_47], %add3A_46 {strides = array<i32>} : memref<1x128xf32, #tpu.memory_space<vmem>>, vector<1x128xf32>,
    } else {
    }
    %eq3A_38 = arith.constant 0 : i32
    %eq3A_39 = arith.cmpi eq, %arg0, %eq3A_38 : i32
    %convert_element_type3A_40 = arith.extui %eq3A_39 : i1 to i32
    %cond3A_41 = arith.constant 0 : i32
    %cond3A_42 = arith.cmpi ne, %convert_element_type3A_40, %cond3A_41 : i32
    scf.if %cond3A_42 {
      %get3A_43 = arith.constant 0 : index
      %get3A_44 = arith.constant 0 : index
      %get3A_45 = vector.load %arg8[%get3A_43, %get3A_44] : memref<1x128xf32, #tpu.memory_space<vmem>>, vector<1x128xf32>
      %mul3A_46 = arith.constant 9.99999974E-5 : f32
      %mul3A_47 = vector.broadcast %mul3A_46 : f32 to vector<1x128xf32>
      %mul3A_48 = arith.mulf %get3A_45, %mul3A_47 : vector<1x128xf32>
      %swap3A = arith.constant 0 : index
      %swap3A_49 = arith.constant 0 : index
      %swap3A_50 = vector.load %arg7[%swap3A, %swap3A_49] : memref<1x128xf32, #tpu.memory_space<vmem>>, vector<1x128xf32>
      tpu.vector_store %arg7[%swap3A, %swap3A_49], %mul3A_48 {strides = array<i32>} : memref<1x128xf32, #tpu.memory_space<vmem>>, vector<1x128xf32>,
      %get3A_51 = arith.constant 0 : index
      %get3A_52 = arith.constant 0 : index
      %get3A_53 = vector.load %arg4[%get3A_51, %get3A_52] : memref<128x16xf32, #tpu.memory_space<vmem>>, vector<128x16xf32>
      %dot_general3A = arith.constant dense<0.000000e+00> : vector<1x16xf32>
      %dot_general3A_54 = tpu.matmul %mul3A_48, %get3A_53, %dot_general3A {dimension_numbers = #tpu.dot_dimension_numbers<[1], [0], [0], [1], [0, 0, 1, 1], [], []>, transpose_lhs_hint = false} : vector<1x128xf32>, vector<128x16xf32>, vector<1x16xf32> -> vector<1x16xf32>
      %get3A_55 = arith.constant 0 : index
      %get3A_56 = arith.constant 0 : index
      %get3A_57 = vector.load %arg5[%get3A_55, %get3A_56] : memref<1x16xf32, #tpu.memory_space<vmem>>, vector<1x16xf32>
      %add3A_58 = arith.addf %dot_general3A_54, %get3A_57 : vector<1x16xf32>
      %swap3A_59 = arith.constant 0 : index
      %swap3A_60 = arith.constant 0 : index
      %swap3A_61 = vector.load %arg6[%swap3A_59, %swap3A_60] : memref<1x16xf32, #tpu.memory_space<vmem>>, vector<1x16xf32>
      tpu.vector_store %arg6[%swap3A_59, %swap3A_60], %add3A_58 {strides = array<i32>} : memref<1x16xf32, #tpu.memory_space<vmem>>, vector<1x16xf32>,
    } else {
    }
    return
  }
  func.func @transform_0(%arg0: i32) -> (i32, i32, i32) {
    %c0_i32 = arith.constant 0 : i32
    %c0_i32_0 = arith.constant 0 : i32
    %c0_i32_1 = arith.constant 0 : i32
    return %c0_i32, %arg0, %c0_i32_0 : i32, i32, i32
  }
  func.func @transform_1(%arg0: i32) -> (i32, i32, i32) {
    %c0_i32 = arith.constant 0 : i32
    %c0_i32_0 = arith.constant 0 : i32
    %c0_i32_1 = arith.constant 0 : i32
    return %c0_i32, %arg0, %c0_i32_0 : i32, i32, i32
  }
  func.func @transform_2(%arg0: i32) -> (i32, i32) {
    %c0_i32 = arith.constant 0 : i32
    %c0_i32_0 = arith.constant 0 : i32
    %c0_i32_1 = arith.constant 0 : i32
    return %c0_i32, %c0_i32_0 : i32, i32
  }
  func.func @transform_3(%arg0: i32) -> (i32, i32) {
    %c0_i32 = arith.constant 0 : i32
    %c0_i32_0 = arith.constant 0 : i32
    %c0_i32_1 = arith.constant 0 : i32
    return %c0_i32, %c0_i32_0 : i32, i32
  }
  func.func @transform_4(%arg0: i32) -> (i32, i32) {
    %c0_i32 = arith.constant 0 : i32
    %c0_i32_0 = arith.constant 0 : i32
    %c0_i32_1 = arith.constant 0 : i32
    return %c0_i32, %c0_i32_0 : i32, i32
  }
  func.func @transform_5(%arg0: i32) -> (i32, i32) {
    %c0_i32 = arith.constant 0 : i32
    %c0_i32_0 = arith.constant 0 : i32
    %c0_i32_1 = arith.constant 0 : i32
    return %c0_i32, %c0_i32_0 : i32, i32
  }
  func.func @transform_6(%arg0: i32) -> (i32, i32) {
    %c0_i32 = arith.constant 0 : i32
    %c0_i32_0 = arith.constant 0 : i32
    %c0_i32_1 = arith.constant 0 : i32
    return %c0_i32, %c0_i32_0 : i32, i32
  }
}

</mosaic_0001>

<sc_bundles>
// kernel: kernel.11.cloned.1.call-start
scs
__scs_entry_jumppad:
0x0: {  	(pc) =	sbr.rel $0x88, $3  }
0x1: {  	(tag) =	ssettag $0x0;
	lr =	simm.s32 $0x1  }
0x2: {  	[smem:$0x3F99] =	sst lr;
	_ =	strace $0xD0000000  }
0x3: {  	_ = 	snop  }
0x4: {  	_ = 	snop  }
0x5: {  	_ = 	snop  }
0x6: {  	_ = 	snop  }
0x7: {  	_ = 	snop  }
__scs_overlays_trampoline_lowered:
0x8: {  	[smem:$0x3FA8] =	sst s0  }
0x9: {  	[smem:$0x3FA9] =	sst s1  }
0xa: {  	[smem:$0x3FAA] =	sst s2  }
0xb: {  	[smem:$0x3FAB] =	sst s3  }
0xc: {  	[smem:$0x3FAC] =	sst s4  }
0xd: {  	[smem:$0x3FAD] =	sst s5  }
0xe: {  	[smem:$0x3FAE] =	sst s6  }
0xf: {  	[smem:$0x3FAF] =	sst s7  }
0x10: {  	[smem:$0x3FB0] =	sst s8  }
0x11: {  	[smem:$0x3FB1] =	sst s9;
	s0 =	simm.s32 @!p0 $0x0  }
0x12: {  	s1 =	sld [smem:$0x3F97];
	s0 =	simm.s32 @p0 $0x1  }
0x13: {  	[smem:$0x3FB2] =	sst s0;
	s0 =	simm.s32 @!p1 $0x0  }
0x14: {  	s2 =	sld [smem:$0x3F96];
	s0 =	simm.s32 @p1 $0x1  }
0x15: {  	[smem:$0x3FB3] =	sst s0;
	s0 =	simm.s32 @!p2 $0x0  }
0x16: {  	s3 =	sld [smem:$0x3FDB];
	s0 =	simm.s32 @p2 $0x1  }
0x17: {  	s4 =	simm.s32 $0x1BF5;
	[smem:$0x3FB5] =	sst s0  }
0x18: {  	s0 =	sld [smem:$0x3F98];
	_ =	swait.ge [sflag:s4], $0x0  }
0x19: {  	s7 =	sld [smem:$0x3F99]  }
0x1a: {  	s8 =	sadd.s32 $0xFFFFE003, lr  }
0x1b: {  	s9 =	sadd.s32 $0xFFFFFEF7, lr;
	s5 =	simm.s32 $0xFFFFFFFF;
	p2 =	slt.u32 s8, $0xFFFFF086  }
0x1c: {  	p1 =	slt.u32 s9, $0xF7A;
	s5 =	simm.s32 @!p2 $0x0  }
0x1d: {  	s5 =	simm.s32 @p1 $0x1;
	p0 =	seq.s32 s7, s2  }
0x1e: {  	s7 =	smul.u32 @!p0 $0xF7A, s2;
	p2 =	seq.s32 @!p0 s5, $0x0  }
0x1f: {  	s9 =	smul.u32 $0xF7A, s1;
	s8 =	simm.s32 @!p0 $0x1BF5;
	p2 =	por !p2, p0  }
0x20: {  	[sflag:s8] =	ssyncset.s32 @!p0 $0xFFFFF086;
	s6 =	sadd.s32 @!p0 s3, s7;
	s7 =	simm.s32 @!p0 $0x108  }
0x21: {  	s3 =	sadd.s32 s3, s9;
	s6 =	sadd.s32 @!p0 $0x88, s6;
	s7 =	simm.s32 @p2 $0x1082  }
0x22: {  	[simem:s7], [sflag:s8] =	dma.local @!p0 [hbm:s6], $0xF7A  }
0x23: {  	s9 =	sor.u32 $0xD0000000, s2;
	s6 =	simm.s32 $0x108;
	_ =	swait.ge @!p0 [sflag:s8], $0x0  }
0x24: {  	s3 =	sadd.s32 $0x88, s3;
	s6 =	simm.s32 @!p1 $0x1082;
	[sflag:s4] =	ssyncset.s32 $0xFFFFF086  }
0x25: {  	[simem:s6], [sflag:s4] =	dma.local [hbm:s3], $0xF7A  }
0x26: {  	[smem:$0x3F99] =	sst s1;
	(tag) =	ssettag s2;
	_ =	strace s9  }
0x27: {  	s1 =	sld [smem:$0x3FA9]  }
0x28: {  	s2 =	sld [smem:$0x3FAA]  }
0x29: {  	s4 =	sld [smem:$0x3FAC]  }
0x2a: {  	p0 =	seq.s32 s5, $0x0;
	s5 =	sld [smem:$0x3FAD]  }
0x2b: {  	s6 =	sld [smem:$0x3FAE]  }
0x2c: {  	s7 =	sld [smem:$0x3FAF]  }
0x2d: {  	s3 =	simm.s32 $0x108;
	s8 =	sld [smem:$0x3FB0]  }
0x2e: {  	s3 =	simm.s32 @!p0 $0x1082;
	s9 =	sld [smem:$0x3FB1]  }
0x2f: {  	lr =	sadd.s32 s0, s3;
	s0 =	sld [smem:$0x3FA8]  }
0x30: {  	s3 =	sld [smem:$0x3FAB]  }
0x31: {  	[smem:$0x3FB4] =	sst s10  }
0x32: {  	s10 =	sld [smem:$0x3FB2];
	_ =	sdelay $0x3  }
0x33: {  	p0 =	seq.s32 s10, $0x1;
	s10 =	sld [smem:$0x3FB4];
	_ =	sdelay $0x3  }
0x34: {  	[smem:$0x3FB4] =	sst s10  }
0x35: {  	s10 =	sld [smem:$0x3FB3];
	_ =	sdelay $0x3  }
0x36: {  	p1 =	seq.s32 s10, $0x1;
	s10 =	sld [smem:$0x3FB4];
	_ =	sdelay $0x3  }
0x37: {  	[smem:$0x3FB4] =	sst s10  }
0x38: {  	s10 =	sld [smem:$0x3FB5]  }
0x39: {  	_ = 	snop;
	(pc) =	sbr.ind lr, $3  }
0x3a: {  	_ = 	snop  }
0x3b: {  	_ = 	snop  }
0x3c: {  	p2 =	seq.s32 s10, $0x1;
	s10 =	sld [smem:$0x3FB4]  }
0x3d: {  	_ =	shalt  }
0x3e: {  	_ =	shalt  }
0x3f: {  	_ =	shalt  }
0x40: {  	_ =	shalt  }
0x41: {  	_ =	shalt  }
0x42: {  	_ =	shalt  }
0x43: {  	_ =	shalt  }
0x44: {  	_ =	shalt  }
0x45: {  	_ =	shalt  }
0x46: {  	_ =	shalt  }
0x47: {  	_ =	shalt  }
0x48: {  	_ =	shalt  }
0x49: {  	_ =	shalt  }
0x4a: {  	_ =	shalt  }
0x4b: {  	_ =	shalt  }
0x4c: {  	_ =	shalt  }
0x4d: {  	_ =	shalt  }
0x4e: {  	_ =	shalt  }
0x4f: {  	_ =	shalt  }
0x50: {  	_ =	shalt  }
0x51: {  	_ =	shalt  }
0x52: {  	_ =	shalt  }
0x53: {  	_ =	shalt  }
0x54: {  	_ =	shalt  }
0x55: {  	_ =	shalt  }
0x56: {  	_ =	shalt  }
0x57: {  	_ =	shalt  }
0x58: {  	_ =	shalt  }
0x59: {  	_ =	shalt  }
0x5a: {  	_ =	shalt  }
0x5b: {  	_ =	shalt  }
0x5c: {  	_ =	shalt  }
0x5d: {  	_ =	shalt  }
0x5e: {  	_ =	shalt  }
0x5f: {  	_ =	shalt  }
0x60: {  	_ =	shalt  }
0x61: {  	_ =	shalt  }
0x62: {  	_ =	shalt  }
0x63: {  	_ =	shalt  }
0x64: {  	_ =	shalt  }
0x65: {  	_ =	shalt  }
0x66: {  	_ =	shalt  }
0x67: {  	_ =	shalt  }
0x68: {  	_ =	shalt  }
0x69: {  	_ =	shalt  }
0x6a: {  	_ =	shalt  }
0x6b: {  	_ =	shalt  }
0x6c: {  	_ =	shalt  }
0x6d: {  	_ =	shalt  }
0x6e: {  	_ =	shalt  }
0x6f: {  	_ =	shalt  }
0x70: {  	_ =	shalt  }
0x71: {  	_ =	shalt  }
0x72: {  	_ =	shalt  }
0x73: {  	_ =	shalt  }
0x74: {  	_ =	shalt  }
0x75: {  	_ =	shalt  }
0x76: {  	_ =	shalt  }
0x77: {  	_ =	shalt  }
0x78: {  	_ =	shalt  }
0x79: {  	_ =	shalt  }
0x7a: {  	_ =	shalt  }
0x7b: {  	_ =	shalt  }
0x7c: {  	_ =	shalt  }
0x7d: {  	_ =	shalt  }
0x7e: {  	_ =	shalt  }
0x7f: {  	_ =	shalt  }
0x80: {  	_ =	shalt  }
0x81: {  	_ =	shalt  }
0x82: {  	_ =	shalt  }
0x83: {  	_ =	shalt  }
0x84: {  	_ =	shalt  }
0x85: {  	_ =	shalt  }
0x86: {  	_ =	shalt  }
0x87: {  	_ =	shalt  }
.Lfunc_end0:
.L_simem_size_0:
called_computation.1_lowered:
.L_overlay_start_0:
0x88: {  	s2 =	sld [smem:$0x3FD9]  }
0x89: {  	s3 =	sld [smem:$0x3FFE];
	_ =	sdelay $0x1  }
0x8a: {  	s1 =	srdreg.scid  }
0x8b: {  	s0 =	sand.u32 $0x1, s1  }
0x8c: {  	s16 =	sshll.u32 s0, $0xA;
	s2 =	sadd.s32 s3, s2  }
0x8d: {  	s2 =	sadd.s32 s2, s16  }
0x8e: {  	[smem:$0x3FC0] =	sst s2  }
0x8f: {  	_ = 	snop  }
0x90: {  	(tm) =	ssettm $0x1  }
0x91: {  	s17 =	sld [smem:$0x3FFB];
	_ =	sdelay $0x3  }
0x92: {  	_ =	strace s17  }
0x93: {  	s2 =	sld [smem:$0x3FFC];
	_ =	sdelay $0x3  }
0x94: {  	_ =	strace s2  }
0x95: {  	s2 =	sld [smem:$0x3FFD];
	_ =	sdelay $0x3  }
0x96: {  	_ =	strace s2  }
0x97: {  	_ =	strace $0x8FFFFFFF  }
0x98: {  	s18 =	sld [smem:$0x3FDB];
	_ =	sdelay $0x1  }
0x99: {  	s19 =	simm.s32 $_scs_section_size  }
0x9a: {  	s4 =	simm.s32 $_size__tile_overlayer_lowered;
	s5 =	simm.s32 $_tile_overlayer_lowered  }
0x9b: {  	s22 =	simm.s32 $0x1BFF;
	s21 =	sshll.u32 s5, $0x1;
	s2 =	sadd.s32 s19, s18  }
0x9c: {  	s6 =	simm.s32 $0x0;
	s20 =	sshll.u32 s4, $0x1;
	s4 =	sadd.s32 s21, s2  }
0x9d: {  	[timem:s6], [sflag:s22] =	dma.local [hbm:s4], s20  }
0x9e: {  	_ =	swait.ge [sflag:s22], s20  }
0x9f: {  	s3 =	ssub.s32 $0x0, s20;
	[sflag:s22] =	ssyncset.done $0x0  }
0xa0: {  	[sflag:s22] =	ssyncadd.s32 s3;
	_ =	sdelay $0x1  }
0xa1: {  	s23 =	simm.s32 $0x1B8B  }
0xa2: {  	_ =	swait.ge [sflag:s23], $0x1  }
0xa3: {  	[sflag:s23] =	ssyncset.done $0x0  }
0xa4: {  	s25 =	simm.s32 $0x1B8E;
	s24 =	sld [smem:$0x3FFE];
	[sflag:s23] =	ssyncadd.s32 $0xFFFFFFFF  }
0xa5: {  	s26 =	simm.s32 $execute0_lowered;
	[smem:$0x3FD2] =	sst s25  }
0xa6: {  	s4 =	sshll.u32 s26, $0x1;
	_ =	strace $0x80000049;
	[dreg:$0x1] =	wrdreg $0xFFFFFFFF  }
0xa7: {  	s28 =	simm.s32 $_size_execute0_lowered;
	s2 =	sadd.s32 s2, s4;
	[dreg:$0x0] =	wrdreg $0x0  }
0xa8: {  	s4 =	sshll.u32 s28, $0x1;
	[dreg:$0x2] =	wrdreg s2  }
0xa9: {  	[dreg:$0x3] =	wrdreg s4  }
0xaa: {  	[dreg:$0x4] =	wrdreg $0xC0  }
0xab: {  	_ =	task [dreg:s6], $0x5FFFF  }
0xac: {  	[dreg:$0x1] =	wrdreg $0xFFFFFFFF  }
0xad: {  	[dreg:$0x0] =	wrdreg $0x60  }
0xae: {  	[dreg:$0x2] =	wrdreg s24  }
0xaf: {  	[dreg:$0x3] =	wrdreg $0x68000  }
0xb0: {  	[dreg:$0x4] =	wrdreg $0x9  }
0xb1: {  	_ =	task.clear_ibuf [dreg:s6], $0x5FFFF;
	_ =	strace $0x90000049  }
0xb2: {  	s29 =	simm.s32 $0x9;
	_ =	strace $0x8000004B  }
0xb3: {  	_ =	swait.ge [sflag:s29], $0x1  }
0xb4: {  	[sflag:s29] =	ssyncadd.s32 $0xFFFFFFFF  }
0xb5: {  	_ =	strace $0x9000004B  }
0xb6: {  	_ =	sfence  }
0xb7: {  	s30 =	sld [smem:$0x0];
	_ =	sdelay $0x2  }
0xb8: {  	s31 =	sshll.u32 s1, $0xD;
	s1 =	sshrl.u32 s1, $0x2  }
0xb9: {  	s3 =	sand.u32 $0x4000, s31;
	s1 =	sadd.s32 s1, s30  }
0xba: {  	s0 =	sor.u32 s3, s0;
	s1 =	sshll.u32 s1, $0x11  }
0xbb: {  	s0 =	sor.u32 s1, s0  }
0xbc: {  	s0 =	sadd.s32 $0x8F2B, s0  }
0xbd: {  	[sflag:s0] =	ssyncadd.remote.s32 $0x1  }
0xbe: {  	_ =	sfence.sel $0xFFFF  }
0xbf: {  	[dreg:$0x0] =	wrdreg $0xFFFFFFFF;
	(pc) =	sbr.abs _section_cstart, $3  }
0xc0: {  	[dreg:$0x1] =	wrdreg $0xFFFFFFFF  }
0xc1: {  	_ =	task.clear_ibuf [dreg:s6], $0x2FFFF;
	_ =	strace $0x9FFFFFFF  }
0xc2: {  	(tm) =	ssettm $0x7FFFFFFF  }
0xc3: {  	_ =	shalt  }
tec
execute0_lowered:
.L_overlay_start_1:
0x0: {  	(tag) =	ssettag $0x1  }
0x1: {  	s5 =	rddreg [dreg:$0x0]  }
0x2: {  	s2 =	rddreg [dreg:$0x1]  }
0x3: {  	s0 =	rddreg [dreg:$0x2];
	s1 =	stileid.u32  }
0x4: {  	s4 =	srdreg.scid;
	s3 =	simm.s32 $0x0;
	s15 =	simm.s32 $0x1400  }
0x5: {  	s16 =	simm.s32 $0x1;
	s17 =	simm.s32 $0x80;
	s18 =	simm.s32 $0x2800  }
0x6: {  	s19 =	simm.s32 $0x0;
	s6 =	smul.u32 $0x14000, s1;
	s7 =	sand.u32 $0x1, s4  }
0x7: {  	[smem:$0x7FF] =	sst s3;
	s4 =	sadd.s32 $0x16E00, s5;
	s11 =	sadd.s32 $0x2E00, s5  }
0x8: {  	s12 =	sadd.s32 $0xCE00, s5;
	s13 =	smul.u32 $0x50000, s1;
	s29 =	sshll.u32 s1, $0x6  }
0x9: {  	s8 =	smul.u32 $0x140000, s7;
	_ =	strace $0x8000004A;
	s25 =	ssub.s32 $0x2, s7  }
0xa: {  	s7 =	sshll.u32 s7, $0x4;
	s9 =	sshrl.u32 s6, $0x3;
	s10 =	sshrl.u32 s25, $0x1  }
0xb: {  	s26 =	sor.u32 s1, s7;
	s28 =	sshrl.u32 s13, $0x2;
	s6 =	sadd.s32 s6, s8  }
0xc: {  	s24 =	sadd.s32 s9, s5;
	s9 =	ssub.s32 s25, s10;
	s30 =	smul.u32 $0x2800, s26  }
0xd: {  	s13 =	sadd.s32 s28, s2;
	s6 =	sshrl.u32 s6, $0x3;
	s8 =	smax.u32 s9, $0x1  }
0xe: {  	s13 =	sshrl.u32 s13, $0x3;
	s14 =	sadd.s32 s6, s5;
	s5 =	sadd.s32 $0x8F400, s24  }
0xf: {  	s6 =	sor.u32 $0x1C02, s29;
	s31 =	sshrl.u32 s30, $0x3;
	s7 =	sadd.s32 $0xB7400, s14  }
0x10: {  	s9 =	sadd.s32 s11, s31;
	s10 =	sadd.s32 s12, s31;
	s14 =	sadd.s32 $0x280, s31  }
0x11: {  	s11 =	sadd.s32 s11, s14;
	s12 =	sadd.s32 s12, s14;
	s14 =	simm.s32 $0x2  }
.LBB2_1:
0x12: {  	[spmem:s13], [sflag:s6] =	dma.local [hbm:s5], $0x2800  }
0x13: {  	_ =	swait.ge [sflag:s14], $0x2800  }
0x14: {  	[sflag:s14] =	ssyncset.done $0x0  }
0x15: {  	[sflag:s14] =	ssyncadd.s32 $0xFFFFD800  }
0x16: {  	[bflag:$0x0] =	sbarrier.arrive $0xFFFF  }
0x17: {  	[tilespmem:s3], [sflag:$0x1] =	stream.linear.gather [hbm4b:s9+s3], $0x1400, $0x38;
	[tilespmem:$0x1A800] =	vst v63  }
0x18: {  	_ = 	snop  }
0x19: {  	[tilespmem:s15], [sflag:$0x1] =	stream.linear.gather [hbm4b:s10+s3], $0x1400, $0x38;
	[tilespmem:$0x1A800] =	vst v63  }
0x1a: {  	_ =	swait.ge [sflag:s16], $0x1400  }
0x1b: {  	[sflag:s16] =	ssyncset.done $0x0  }
0x1c: {  	[sflag:s16] =	ssyncadd.s32 $0xFFFFEC00  }
0x1d: {  	_ =	swait.ge [sflag:s16], $0x1400  }
0x1e: {  	[sflag:s16] =	ssyncset.done $0x0  }
0x1f: {  	s20 =	simm.s32 $0x0;
	[sflag:s16] =	ssyncadd.s32 $0xFFFFEC00  }
0x20: {  	[tilespmem:s18], [sflag:$0x1] =	stream.indirect.gather [hbm4b:s4+s17], $0x80, s20, s17, $0xb8;
	[tilespmem:$0x1A800] =	vst v63  }
0x21: {  	_ =	swait.ge [sflag:s16], $0x4000  }
0x22: {  	[sflag:s16] =	ssyncset.done $0x0  }
0x23: {  	s31 =	simm.s32 $0x1400;
	[sflag:s16] =	ssyncadd.s32 $0xFFFFC000  }
0x24: {  	[spmem:s2] =	stream.indirect.scatter.add.f32 [tilespmem:s18], [sflag:$0x2], $0x80, s31, s17, $0xb8;
	[tilespmem:$0x1A800] =	vst v63  }
0x25: {  	_ =	swait.ge [sflag:s14], $0x4000  }
0x26: {  	s21 =	simm.s32 $0x400;
	s20 =	simm.s32 $0x200;
	[sflag:s14] =	ssyncset.done $0x0  }
.LBB2_2:
0x27: {  	s22 =	sshra.s32 s20, $0x2  }
0x28: {  	[sflag:s14] =	ssyncadd.s32 $0xFFFFC000;
	s20 =	smov.u32 s21;
	s23 =	sadd.s32 $0x200, s21  }
0x29: {  	[tilespmem:s18], [sflag:$0x1] =	stream.indirect.gather [hbm4b:s4+s17], $0x80, s22, s17, $0xb8;
	[tilespmem:$0x1A800] =	vst v63  }
0x2a: {  	p0 =	sne.s32 s21, $0x4E00;
	_ =	swait.ge [sflag:s16], $0x4000  }
.Ltmp0:
0x2b: {  	[sflag:s16] =	ssyncset.done $0x0;
	(pc) =	sbr.rel @p0 .LBB2_2-.Ltmp0, $4  }
0x2c: {  	s21 =	sadd.s32 $0x1400, s22;
	[sflag:s16] =	ssyncadd.s32 $0xFFFFC000  }
0x2d: {  	[spmem:s2] =	stream.indirect.scatter.add.f32 [tilespmem:s18], [sflag:$0x2], $0x80, s21, s17, $0xb8;
	[tilespmem:$0x1A800] =	vst v63  }
0x2e: {  	_ =	swait.ge [sflag:s14], $0x4000  }
0x2f: {  	s21 =	smov.u32 s23;
	[sflag:s14] =	ssyncset.done $0x0  }
0x30: {  	s20 =	sshra.s32 s20, $0x2;
	[sflag:s14] =	ssyncadd.s32 $0xFFFFC000  }
0x31: {  	[tilespmem:s18], [sflag:$0x1] =	stream.indirect.gather [hbm4b:s4+s17], $0x80, s20, s17, $0xb8;
	[tilespmem:$0x1A800] =	vst v63  }
0x32: {  	_ =	swait.ge [sflag:s16], $0x4000  }
0x33: {  	[sflag:s16] =	ssyncset.done $0x0  }
0x34: {  	s20 =	sadd.s32 $0x1400, s20;
	[sflag:s16] =	ssyncadd.s32 $0xFFFFC000  }
0x35: {  	[spmem:s2] =	stream.indirect.scatter.add.f32 [tilespmem:s18], [sflag:$0x2], $0x80, s20, s17, $0xb8;
	[tilespmem:$0x1A800] =	vst v63  }
0x36: {  	_ =	swait.ge [sflag:s14], $0x4000  }
0x37: {  	[sflag:s14] =	ssyncset.done $0x0  }
0x38: {  	s29 =	simm.s32 $0x0;
	[sflag:s14] =	ssyncadd.s32 $0xFFFFC000  }
0x39: {  	[tilespmem:s29], [sflag:$0x1] =	stream.linear.gather [hbm4b:s11+s29], $0x1400, $0x38;
	[tilespmem:$0x1A800] =	vst v63  }
0x3a: {  	_ = 	snop  }
0x3b: {  	[tilespmem:s15], [sflag:$0x1] =	stream.linear.gather [hbm4b:s12+s29], $0x1400, $0x38;
	[tilespmem:$0x1A800] =	vst v63  }
0x3c: {  	_ =	swait.ge [sflag:s16], $0x1400  }
0x3d: {  	[sflag:s16] =	ssyncset.done $0x0  }
0x3e: {  	[sflag:s16] =	ssyncadd.s32 $0xFFFFEC00  }
0x3f: {  	_ =	swait.ge [sflag:s16], $0x1400  }
0x40: {  	[sflag:s16] =	ssyncset.done $0x0  }
0x41: {  	s30 =	simm.s32 $0x0;
	[sflag:s16] =	ssyncadd.s32 $0xFFFFEC00  }
0x42: {  	[tilespmem:s18], [sflag:$0x1] =	stream.indirect.gather [hbm4b:s4+s17], $0x80, s30, s17, $0xb8;
	[tilespmem:$0x1A800] =	vst v63  }
0x43: {  	_ =	swait.ge [sflag:s16], $0x4000  }
0x44: {  	[sflag:s16] =	ssyncset.done $0x0  }
0x45: {  	s31 =	simm.s32 $0x1400;
	[sflag:s16] =	ssyncadd.s32 $0xFFFFC000  }
0x46: {  	[spmem:s2] =	stream.indirect.scatter.add.f32 [tilespmem:s18], [sflag:$0x2], $0x80, s31, s17, $0xb8;
	[tilespmem:$0x1A800] =	vst v63  }
0x47: {  	_ =	swait.ge [sflag:s14], $0x4000  }
0x48: {  	s21 =	simm.s32 $0x400;
	s20 =	simm.s32 $0x200;
	[sflag:s14] =	ssyncset.done $0x0  }
.LBB2_4:
0x49: {  	s22 =	sshra.s32 s20, $0x2  }
0x4a: {  	[sflag:s14] =	ssyncadd.s32 $0xFFFFC000;
	s20 =	smov.u32 s21;
	s23 =	sadd.s32 $0x200, s21  }
0x4b: {  	[tilespmem:s18], [sflag:$0x1] =	stream.indirect.gather [hbm4b:s4+s17], $0x80, s22, s17, $0xb8;
	[tilespmem:$0x1A800] =	vst v63  }
0x4c: {  	p0 =	sne.s32 s21, $0x4E00;
	_ =	swait.ge [sflag:s16], $0x4000  }
.Ltmp1:
0x4d: {  	[sflag:s16] =	ssyncset.done $0x0;
	(pc) =	sbr.rel @p0 .LBB2_4-.Ltmp1, $4  }
0x4e: {  	s21 =	sadd.s32 $0x1400, s22;
	[sflag:s16] =	ssyncadd.s32 $0xFFFFC000  }
0x4f: {  	[spmem:s2] =	stream.indirect.scatter.add.f32 [tilespmem:s18], [sflag:$0x2], $0x80, s21, s17, $0xb8;
	[tilespmem:$0x1A800] =	vst v63  }
0x50: {  	_ =	swait.ge [sflag:s14], $0x4000  }
0x51: {  	s21 =	smov.u32 s23;
	[sflag:s14] =	ssyncset.done $0x0  }
0x52: {  	s20 =	sshra.s32 s20, $0x2;
	[sflag:s14] =	ssyncadd.s32 $0xFFFFC000  }
0x53: {  	[tilespmem:s18], [sflag:$0x1] =	stream.indirect.gather [hbm4b:s4+s17], $0x80, s20, s17, $0xb8;
	[tilespmem:$0x1A800] =	vst v63  }
0x54: {  	_ =	swait.ge [sflag:s16], $0x4000  }
0x55: {  	[sflag:s16] =	ssyncset.done $0x0  }
0x56: {  	s20 =	sadd.s32 $0x1400, s20;
	[sflag:s16] =	ssyncadd.s32 $0xFFFFC000  }
0x57: {  	[spmem:s2] =	stream.indirect.scatter.add.f32 [tilespmem:s18], [sflag:$0x2], $0x80, s20, s17, $0xb8;
	[tilespmem:$0x1A800] =	vst v63  }
0x58: {  	_ =	swait.ge [sflag:s14], $0x4000  }
0x59: {  	s19 =	sadd.s32 $0x1, s19;
	[sflag:s14] =	ssyncset.done $0x0  }
0x5a: {  	p0 =	sne.s32 s19, s8;
	[sflag:s14] =	ssyncadd.s32 $0xFFFFC000  }
.Ltmp2:
0x5b: {  	[bflag:$0x0] =	sbarrier.arrive $0xFFFF;
	(pc) =	sbr.rel @p0 .LBB2_1-.Ltmp2, $4  }
0x5c: {  	[hbm:s7], [sflag:s6] =	dma.local [spmem:s13], $0x2800  }
0x5d: {  	_ =	swait.ge [sflag:s14], $0x2800  }
0x5e: {  	[sflag:s14] =	ssyncset.done $0x0  }
0x5f: {  	[sflag:s14] =	ssyncadd.s32 $0xFFFFD800  }
0x60: {  	_ =	sfence.sel $0x180000  }
0x61: {  	[bflag:$0x0] =	sbarrier.arrive $0xFFFF  }
0x62: {  	p0 =	sne.s32 s1, $0x0;
	_ =	strace $0x9000004A  }
0x63: {  	s0 =	sadd.s32 @!p0 $0x100000, s0;
	[bflag:$0x2] =	sbarrier.arrive $0xFFFF  }
0x64: {  	[sflag:s0] =	ssyncadd.tile.s32 @!p0 $0x1;
	_ =	shalt  }
.Lfunc_end2:
_tile_overlayer_lowered:
.L_overlay_start_2:
0x65: {  	(tag) =	ssettag $0x2  }
0x66: {  	s0 =	rddreg [dreg:$0x0];
	s2 =	stileid.u32  }
0x67: {  	s1 =	rddreg [dreg:$0x1];
	p0 =	sne.s32 s2, $0x0  }
0x68: {  	s3 =	rddreg [dreg:$0x2];
	[bflag:$0x3] =	sbarrier.arrive $0xFFFF;
	s2 =	simm.s32 @!p0 $0x1C02  }
0x69: {  	[timem:s3], [sflag:s2] =	dma.local @!p0 [hbm:s0], s1  }
0x6a: {  	s0 =	simm.s32 @!p0 $0x2  }
0x6b: {  	_ =	swait.ge @!p0 [sflag:s0], s1  }
0x6c: {  	s1 =	ssub.s32 @!p0 $0x0, s1;
	[sflag:s0] =	ssyncset.done @!p0 $0x0  }
0x6d: {  	[sflag:s0] =	ssyncadd.s32 @!p0 s1  }
0x6e: {  	[bflag:$0x3] =	sbarrier.arrive $0xFFFF  }
0x6f: {  	_ =	shalt  }

// kernel: kernel.14.cloned.1.call-start
scs
__scs_entry_jumppad:
0x0: {  	(pc) =	sbr.rel $0x88, $3  }
0x1: {  	(tag) =	ssettag $0x0;
	lr =	simm.s32 $0x1  }
0x2: {  	[smem:$0x3F99] =	sst lr;
	_ =	strace $0xD0000000  }
0x3: {  	_ = 	snop  }
0x4: {  	_ = 	snop  }
0x5: {  	_ = 	snop  }
0x6: {  	_ = 	snop  }
0x7: {  	_ = 	snop  }
__scs_overlays_trampoline_lowered:
0x8: {  	[smem:$0x3FA8] =	sst s0  }
0x9: {  	[smem:$0x3FA9] =	sst s1  }
0xa: {  	[smem:$0x3FAA] =	sst s2  }
0xb: {  	[smem:$0x3FAB] =	sst s3  }
0xc: {  	[smem:$0x3FAC] =	sst s4  }
0xd: {  	[smem:$0x3FAD] =	sst s5  }
0xe: {  	[smem:$0x3FAE] =	sst s6  }
0xf: {  	[smem:$0x3FAF] =	sst s7  }
0x10: {  	[smem:$0x3FB0] =	sst s8  }
0x11: {  	[smem:$0x3FB1] =	sst s9;
	s0 =	simm.s32 @!p0 $0x0  }
0x12: {  	s1 =	sld [smem:$0x3F97];
	s0 =	simm.s32 @p0 $0x1  }
0x13: {  	[smem:$0x3FB2] =	sst s0;
	s0 =	simm.s32 @!p1 $0x0  }
0x14: {  	s2 =	sld [smem:$0x3F96];
	s0 =	simm.s32 @p1 $0x1  }
0x15: {  	[smem:$0x3FB3] =	sst s0;
	s0 =	simm.s32 @!p2 $0x0  }
0x16: {  	s3 =	sld [smem:$0x3FDB];
	s0 =	simm.s32 @p2 $0x1  }
0x17: {  	s4 =	simm.s32 $0x1BF5;
	[smem:$0x3FB5] =	sst s0  }
0x18: {  	s0 =	sld [smem:$0x3F98];
	_ =	swait.ge [sflag:s4], $0x0  }
0x19: {  	s7 =	sld [smem:$0x3F99]  }
0x1a: {  	s8 =	sadd.s32 $0xFFFFE003, lr  }
0x1b: {  	s9 =	sadd.s32 $0xFFFFFEF7, lr;
	s5 =	simm.s32 $0xFFFFFFFF;
	p2 =	slt.u32 s8, $0xFFFFF086  }
0x1c: {  	p1 =	slt.u32 s9, $0xF7A;
	s5 =	simm.s32 @!p2 $0x0  }
0x1d: {  	s5 =	simm.s32 @p1 $0x1;
	p0 =	seq.s32 s7, s2  }
0x1e: {  	s7 =	smul.u32 @!p0 $0xF7A, s2;
	p2 =	seq.s32 @!p0 s5, $0x0  }
0x1f: {  	s9 =	smul.u32 $0xF7A, s1;
	s8 =	simm.s32 @!p0 $0x1BF5;
	p2 =	por !p2, p0  }
0x20: {  	[sflag:s8] =	ssyncset.s32 @!p0 $0xFFFFF086;
	s6 =	sadd.s32 @!p0 s3, s7;
	s7 =	simm.s32 @!p0 $0x108  }
0x21: {  	s3 =	sadd.s32 s3, s9;
	s6 =	sadd.s32 @!p0 $0x88, s6;
	s7 =	simm.s32 @p2 $0x1082  }
0x22: {  	[simem:s7], [sflag:s8] =	dma.local @!p0 [hbm:s6], $0xF7A  }
0x23: {  	s9 =	sor.u32 $0xD0000000, s2;
	s6 =	simm.s32 $0x108;
	_ =	swait.ge @!p0 [sflag:s8], $0x0  }
0x24: {  	s3 =	sadd.s32 $0x88, s3;
	s6 =	simm.s32 @!p1 $0x1082;
	[sflag:s4] =	ssyncset.s32 $0xFFFFF086  }
0x25: {  	[simem:s6], [sflag:s4] =	dma.local [hbm:s3], $0xF7A  }
0x26: {  	[smem:$0x3F99] =	sst s1;
	(tag) =	ssettag s2;
	_ =	strace s9  }
0x27: {  	s1 =	sld [smem:$0x3FA9]  }
0x28: {  	s2 =	sld [smem:$0x3FAA]  }
0x29: {  	s4 =	sld [smem:$0x3FAC]  }
0x2a: {  	p0 =	seq.s32 s5, $0x0;
	s5 =	sld [smem:$0x3FAD]  }
0x2b: {  	s6 =	sld [smem:$0x3FAE]  }
0x2c: {  	s7 =	sld [smem:$0x3FAF]  }
0x2d: {  	s3 =	simm.s32 $0x108;
	s8 =	sld [smem:$0x3FB0]  }
0x2e: {  	s3 =	simm.s32 @!p0 $0x1082;
	s9 =	sld [smem:$0x3FB1]  }
0x2f: {  	lr =	sadd.s32 s0, s3;
	s0 =	sld [smem:$0x3FA8]  }
0x30: {  	s3 =	sld [smem:$0x3FAB]  }
0x31: {  	[smem:$0x3FB4] =	sst s10  }
0x32: {  	s10 =	sld [smem:$0x3FB2];
	_ =	sdelay $0x3  }
0x33: {  	p0 =	seq.s32 s10, $0x1;
	s10 =	sld [smem:$0x3FB4];
	_ =	sdelay $0x3  }
0x34: {  	[smem:$0x3FB4] =	sst s10  }
0x35: {  	s10 =	sld [smem:$0x3FB3];
	_ =	sdelay $0x3  }
0x36: {  	p1 =	seq.s32 s10, $0x1;
	s10 =	sld [smem:$0x3FB4];
	_ =	sdelay $0x3  }
0x37: {  	[smem:$0x3FB4] =	sst s10  }
0x38: {  	s10 =	sld [smem:$0x3FB5]  }
0x39: {  	_ = 	snop;
	(pc) =	sbr.ind lr, $3  }
0x3a: {  	_ = 	snop  }
0x3b: {  	_ = 	snop  }
0x3c: {  	p2 =	seq.s32 s10, $0x1;
	s10 =	sld [smem:$0x3FB4]  }
0x3d: {  	_ =	shalt  }
0x3e: {  	_ =	shalt  }
0x3f: {  	_ =	shalt  }
0x40: {  	_ =	shalt  }
0x41: {  	_ =	shalt  }
0x42: {  	_ =	shalt  }
0x43: {  	_ =	shalt  }
0x44: {  	_ =	shalt  }
0x45: {  	_ =	shalt  }
0x46: {  	_ =	shalt  }
0x47: {  	_ =	shalt  }
0x48: {  	_ =	shalt  }
0x49: {  	_ =	shalt  }
0x4a: {  	_ =	shalt  }
0x4b: {  	_ =	shalt  }
0x4c: {  	_ =	shalt  }
0x4d: {  	_ =	shalt  }
0x4e: {  	_ =	shalt  }
0x4f: {  	_ =	shalt  }
0x50: {  	_ =	shalt  }
0x51: {  	_ =	shalt  }
0x52: {  	_ =	shalt  }
0x53: {  	_ =	shalt  }
0x54: {  	_ =	shalt  }
0x55: {  	_ =	shalt  }
0x56: {  	_ =	shalt  }
0x57: {  	_ =	shalt  }
0x58: {  	_ =	shalt  }
0x59: {  	_ =	shalt  }
0x5a: {  	_ =	shalt  }
0x5b: {  	_ =	shalt  }
0x5c: {  	_ =	shalt  }
0x5d: {  	_ =	shalt  }
0x5e: {  	_ =	shalt  }
0x5f: {  	_ =	shalt  }
0x60: {  	_ =	shalt  }
0x61: {  	_ =	shalt  }
0x62: {  	_ =	shalt  }
0x63: {  	_ =	shalt  }
0x64: {  	_ =	shalt  }
0x65: {  	_ =	shalt  }
0x66: {  	_ =	shalt  }
0x67: {  	_ =	shalt  }
0x68: {  	_ =	shalt  }
0x69: {  	_ =	shalt  }
0x6a: {  	_ =	shalt  }
0x6b: {  	_ =	shalt  }
0x6c: {  	_ =	shalt  }
0x6d: {  	_ =	shalt  }
0x6e: {  	_ =	shalt  }
0x6f: {  	_ =	shalt  }
0x70: {  	_ =	shalt  }
0x71: {  	_ =	shalt  }
0x72: {  	_ =	shalt  }
0x73: {  	_ =	shalt  }
0x74: {  	_ =	shalt  }
0x75: {  	_ =	shalt  }
0x76: {  	_ =	shalt  }
0x77: {  	_ =	shalt  }
0x78: {  	_ =	shalt  }
0x79: {  	_ =	shalt  }
0x7a: {  	_ =	shalt  }
0x7b: {  	_ =	shalt  }
0x7c: {  	_ =	shalt  }
0x7d: {  	_ =	shalt  }
0x7e: {  	_ =	shalt  }
0x7f: {  	_ =	shalt  }
0x80: {  	_ =	shalt  }
0x81: {  	_ =	shalt  }
0x82: {  	_ =	shalt  }
0x83: {  	_ =	shalt  }
0x84: {  	_ =	shalt  }
0x85: {  	_ =	shalt  }
0x86: {  	_ =	shalt  }
0x87: {  	_ =	shalt  }
.Lfunc_end0:
.L_simem_size_0:
called_computation.2_lowered:
.L_overlay_start_0:
0x88: {  	s2 =	sld [smem:$0x3FD9]  }
0x89: {  	s3 =	sld [smem:$0x3FFE];
	_ =	sdelay $0x1  }
0x8a: {  	s1 =	srdreg.scid  }
0x8b: {  	s0 =	sand.u32 $0x1, s1  }
0x8c: {  	s16 =	sshll.u32 s0, $0xA;
	s2 =	sadd.s32 s3, s2  }
0x8d: {  	s2 =	sadd.s32 s2, s16  }
0x8e: {  	[smem:$0x3FC0] =	sst s2  }
0x8f: {  	_ = 	snop  }
0x90: {  	(tm) =	ssettm $0x1  }
0x91: {  	s17 =	sld [smem:$0x3FFB];
	_ =	sdelay $0x3  }
0x92: {  	_ =	strace s17  }
0x93: {  	s2 =	sld [smem:$0x3FFC];
	_ =	sdelay $0x3  }
0x94: {  	_ =	strace s2  }
0x95: {  	s2 =	sld [smem:$0x3FFD];
	_ =	sdelay $0x3  }
0x96: {  	_ =	strace s2  }
0x97: {  	_ =	strace $0x8FFFFFFF  }
0x98: {  	s18 =	sld [smem:$0x3FDB];
	_ =	sdelay $0x1  }
0x99: {  	s19 =	simm.s32 $_scs_section_size  }
0x9a: {  	s4 =	simm.s32 $_size__tile_overlayer_lowered;
	s5 =	simm.s32 $_tile_overlayer_lowered  }
0x9b: {  	s22 =	simm.s32 $0x1BFF;
	s21 =	sshll.u32 s5, $0x1;
	s2 =	sadd.s32 s19, s18  }
0x9c: {  	s6 =	simm.s32 $0x0;
	s20 =	sshll.u32 s4, $0x1;
	s4 =	sadd.s32 s21, s2  }
0x9d: {  	[timem:s6], [sflag:s22] =	dma.local [hbm:s4], s20  }
0x9e: {  	_ =	swait.ge [sflag:s22], s20  }
0x9f: {  	s3 =	ssub.s32 $0x0, s20;
	[sflag:s22] =	ssyncset.done $0x0  }
0xa0: {  	[sflag:s22] =	ssyncadd.s32 s3;
	_ =	sdelay $0x1  }
0xa1: {  	s23 =	simm.s32 $0x1B8B  }
0xa2: {  	_ =	swait.ge [sflag:s23], $0x1  }
0xa3: {  	[sflag:s23] =	ssyncset.done $0x0  }
0xa4: {  	s25 =	simm.s32 $0x1B8E;
	s24 =	sld [smem:$0x3FFE];
	[sflag:s23] =	ssyncadd.s32 $0xFFFFFFFF  }
0xa5: {  	s26 =	simm.s32 $execute0_lowered;
	[smem:$0x3FD2] =	sst s25  }
0xa6: {  	s4 =	sshll.u32 s26, $0x1;
	_ =	strace $0x8000004C;
	[dreg:$0x1] =	wrdreg $0xFFFFFFFF  }
0xa7: {  	s28 =	simm.s32 $_size_execute0_lowered;
	s2 =	sadd.s32 s2, s4;
	[dreg:$0x0] =	wrdreg $0x0  }
0xa8: {  	s4 =	sshll.u32 s28, $0x1;
	[dreg:$0x2] =	wrdreg s2  }
0xa9: {  	[dreg:$0x3] =	wrdreg s4  }
0xaa: {  	[dreg:$0x4] =	wrdreg $0xC0  }
0xab: {  	_ =	task [dreg:s6], $0x5FFFF  }
0xac: {  	[dreg:$0x1] =	wrdreg $0xFFFFFFFF  }
0xad: {  	[dreg:$0x0] =	wrdreg $0x60  }
0xae: {  	[dreg:$0x2] =	wrdreg s24  }
0xaf: {  	[dreg:$0x3] =	wrdreg $0x68000  }
0xb0: {  	[dreg:$0x4] =	wrdreg $0x9  }
0xb1: {  	_ =	task.clear_ibuf [dreg:s6], $0x5FFFF;
	_ =	strace $0x9000004C  }
0xb2: {  	s29 =	simm.s32 $0x9;
	_ =	strace $0x8000004E  }
0xb3: {  	_ =	swait.ge [sflag:s29], $0x1  }
0xb4: {  	[sflag:s29] =	ssyncadd.s32 $0xFFFFFFFF  }
0xb5: {  	_ =	strace $0x9000004E  }
0xb6: {  	_ =	sfence  }
0xb7: {  	s30 =	sld [smem:$0x0];
	_ =	sdelay $0x2  }
0xb8: {  	s31 =	sshll.u32 s1, $0xD;
	s1 =	sshrl.u32 s1, $0x2  }
0xb9: {  	s3 =	sand.u32 $0x4000, s31;
	s1 =	sadd.s32 s1, s30  }
0xba: {  	s0 =	sor.u32 s3, s0;
	s1 =	sshll.u32 s1, $0x11  }
0xbb: {  	s0 =	sor.u32 s1, s0  }
0xbc: {  	s0 =	sadd.s32 $0x8F2B, s0  }
0xbd: {  	[sflag:s0] =	ssyncadd.remote.s32 $0x1  }
0xbe: {  	_ =	sfence.sel $0xFFFF  }
0xbf: {  	[dreg:$0x0] =	wrdreg $0xFFFFFFFF;
	(pc) =	sbr.abs _section_cstart, $3  }
0xc0: {  	[dreg:$0x1] =	wrdreg $0xFFFFFFFF  }
0xc1: {  	_ =	task.clear_ibuf [dreg:s6], $0x2FFFF;
	_ =	strace $0x9FFFFFFF  }
0xc2: {  	(tm) =	ssettm $0x7FFFFFFF  }
0xc3: {  	_ =	shalt  }
tec
execute0_lowered:
.L_overlay_start_1:
0x0: {  	(tag) =	ssettag $0x1  }
0x1: {  	s5 =	rddreg [dreg:$0x0]  }
0x2: {  	s2 =	rddreg [dreg:$0x1]  }
0x3: {  	s0 =	rddreg [dreg:$0x2];
	s1 =	stileid.u32  }
0x4: {  	s4 =	srdreg.scid;
	s3 =	simm.s32 $0x0;
	s15 =	simm.s32 $0x1400  }
0x5: {  	s16 =	simm.s32 $0x1;
	s17 =	simm.s32 $0x80;
	s18 =	simm.s32 $0x2800  }
0x6: {  	s19 =	simm.s32 $0x0;
	s6 =	smul.u32 $0x14000, s1;
	s7 =	sand.u32 $0x1, s4  }
0x7: {  	[smem:$0x7FF] =	sst s3;
	s4 =	sadd.s32 $0x16E00, s5;
	s11 =	sadd.s32 $0x2E00, s5  }
0x8: {  	s12 =	sadd.s32 $0xCE00, s5;
	s13 =	smul.u32 $0x50000, s1;
	s29 =	sshll.u32 s1, $0x6  }
0x9: {  	s8 =	smul.u32 $0x140000, s7;
	_ =	strace $0x8000004D;
	s25 =	ssub.s32 $0x2, s7  }
0xa: {  	s7 =	sshll.u32 s7, $0x4;
	s9 =	sshrl.u32 s6, $0x3;
	s10 =	sshrl.u32 s25, $0x1  }
0xb: {  	s26 =	sor.u32 s1, s7;
	s28 =	sshrl.u32 s13, $0x2;
	s6 =	sadd.s32 s6, s8  }
0xc: {  	s24 =	sadd.s32 s9, s5;
	s9 =	ssub.s32 s25, s10;
	s30 =	smul.u32 $0x2800, s26  }
0xd: {  	s13 =	sadd.s32 s28, s2;
	s6 =	sshrl.u32 s6, $0x3;
	s8 =	smax.u32 s9, $0x1  }
0xe: {  	s13 =	sshrl.u32 s13, $0x3;
	s14 =	sadd.s32 s6, s5;
	s5 =	sadd.s32 $0x8F400, s24  }
0xf: {  	s6 =	sor.u32 $0x1C02, s29;
	s31 =	sshrl.u32 s30, $0x3;
	s7 =	sadd.s32 $0xB7400, s14  }
0x10: {  	s9 =	sadd.s32 s11, s31;
	s10 =	sadd.s32 s12, s31;
	s14 =	sadd.s32 $0x280, s31  }
0x11: {  	s11 =	sadd.s32 s11, s14;
	s12 =	sadd.s32 s12, s14;
	s14 =	simm.s32 $0x2  }
.LBB2_1:
0x12: {  	[spmem:s13], [sflag:s6] =	dma.local [hbm:s5], $0x2800  }
0x13: {  	_ =	swait.ge [sflag:s14], $0x2800  }
0x14: {  	[sflag:s14] =	ssyncset.done $0x0  }
0x15: {  	[sflag:s14] =	ssyncadd.s32 $0xFFFFD800  }
0x16: {  	[bflag:$0x0] =	sbarrier.arrive $0xFFFF  }
0x17: {  	[tilespmem:s3], [sflag:$0x1] =	stream.linear.gather [hbm4b:s9+s3], $0x1400, $0x38;
	[tilespmem:$0x1A800] =	vst v63  }
0x18: {  	_ = 	snop  }
0x19: {  	[tilespmem:s15], [sflag:$0x1] =	stream.linear.gather [hbm4b:s10+s3], $0x1400, $0x38;
	[tilespmem:$0x1A800] =	vst v63  }
0x1a: {  	_ =	swait.ge [sflag:s16], $0x1400  }
0x1b: {  	[sflag:s16] =	ssyncset.done $0x0  }
0x1c: {  	[sflag:s16] =	ssyncadd.s32 $0xFFFFEC00  }
0x1d: {  	_ =	swait.ge [sflag:s16], $0x1400  }
0x1e: {  	[sflag:s16] =	ssyncset.done $0x0  }
0x1f: {  	s20 =	simm.s32 $0x0;
	[sflag:s16] =	ssyncadd.s32 $0xFFFFEC00  }
0x20: {  	[tilespmem:s18], [sflag:$0x1] =	stream.indirect.gather [hbm4b:s4+s17], $0x80, s20, s17, $0xb8;
	[tilespmem:$0x1A800] =	vst v63  }
0x21: {  	_ =	swait.ge [sflag:s16], $0x4000  }
0x22: {  	[sflag:s16] =	ssyncset.done $0x0  }
0x23: {  	s31 =	simm.s32 $0x1400;
	[sflag:s16] =	ssyncadd.s32 $0xFFFFC000  }
0x24: {  	[spmem:s2] =	stream.indirect.scatter.add.f32 [tilespmem:s18], [sflag:$0x2], $0x80, s31, s17, $0xb8;
	[tilespmem:$0x1A800] =	vst v63  }
0x25: {  	_ =	swait.ge [sflag:s14], $0x4000  }
0x26: {  	s21 =	simm.s32 $0x400;
	s20 =	simm.s32 $0x200;
	[sflag:s14] =	ssyncset.done $0x0  }
.LBB2_2:
0x27: {  	s22 =	sshra.s32 s20, $0x2  }
0x28: {  	[sflag:s14] =	ssyncadd.s32 $0xFFFFC000;
	s20 =	smov.u32 s21;
	s23 =	sadd.s32 $0x200, s21  }
0x29: {  	[tilespmem:s18], [sflag:$0x1] =	stream.indirect.gather [hbm4b:s4+s17], $0x80, s22, s17, $0xb8;
	[tilespmem:$0x1A800] =	vst v63  }
0x2a: {  	p0 =	sne.s32 s21, $0x4E00;
	_ =	swait.ge [sflag:s16], $0x4000  }
.Ltmp0:
0x2b: {  	[sflag:s16] =	ssyncset.done $0x0;
	(pc) =	sbr.rel @p0 .LBB2_2-.Ltmp0, $4  }
0x2c: {  	s21 =	sadd.s32 $0x1400, s22;
	[sflag:s16] =	ssyncadd.s32 $0xFFFFC000  }
0x2d: {  	[spmem:s2] =	stream.indirect.scatter.add.f32 [tilespmem:s18], [sflag:$0x2], $0x80, s21, s17, $0xb8;
	[tilespmem:$0x1A800] =	vst v63  }
0x2e: {  	_ =	swait.ge [sflag:s14], $0x4000  }
0x2f: {  	s21 =	smov.u32 s23;
	[sflag:s14] =	ssyncset.done $0x0  }
0x30: {  	s20 =	sshra.s32 s20, $0x2;
	[sflag:s14] =	ssyncadd.s32 $0xFFFFC000  }
0x31: {  	[tilespmem:s18], [sflag:$0x1] =	stream.indirect.gather [hbm4b:s4+s17], $0x80, s20, s17, $0xb8;
	[tilespmem:$0x1A800] =	vst v63  }
0x32: {  	_ =	swait.ge [sflag:s16], $0x4000  }
0x33: {  	[sflag:s16] =	ssyncset.done $0x0  }
0x34: {  	s20 =	sadd.s32 $0x1400, s20;
	[sflag:s16] =	ssyncadd.s32 $0xFFFFC000  }
0x35: {  	[spmem:s2] =	stream.indirect.scatter.add.f32 [tilespmem:s18], [sflag:$0x2], $0x80, s20, s17, $0xb8;
	[tilespmem:$0x1A800] =	vst v63  }
0x36: {  	_ =	swait.ge [sflag:s14], $0x4000  }
0x37: {  	[sflag:s14] =	ssyncset.done $0x0  }
0x38: {  	s29 =	simm.s32 $0x0;
	[sflag:s14] =	ssyncadd.s32 $0xFFFFC000  }
0x39: {  	[tilespmem:s29], [sflag:$0x1] =	stream.linear.gather [hbm4b:s11+s29], $0x1400, $0x38;
	[tilespmem:$0x1A800] =	vst v63  }
0x3a: {  	_ = 	snop  }
0x3b: {  	[tilespmem:s15], [sflag:$0x1] =	stream.linear.gather [hbm4b:s12+s29], $0x1400, $0x38;
	[tilespmem:$0x1A800] =	vst v63  }
0x3c: {  	_ =	swait.ge [sflag:s16], $0x1400  }
0x3d: {  	[sflag:s16] =	ssyncset.done $0x0  }
0x3e: {  	[sflag:s16] =	ssyncadd.s32 $0xFFFFEC00  }
0x3f: {  	_ =	swait.ge [sflag:s16], $0x1400  }
0x40: {  	[sflag:s16] =	ssyncset.done $0x0  }
0x41: {  	s30 =	simm.s32 $0x0;
	[sflag:s16] =	ssyncadd.s32 $0xFFFFEC00  }
0x42: {  	[tilespmem:s18], [sflag:$0x1] =	stream.indirect.gather [hbm4b:s4+s17], $0x80, s30, s17, $0xb8;
	[tilespmem:$0x1A800] =	vst v63  }
0x43: {  	_ =	swait.ge [sflag:s16], $0x4000  }
0x44: {  	[sflag:s16] =	ssyncset.done $0x0  }
0x45: {  	s31 =	simm.s32 $0x1400;
	[sflag:s16] =	ssyncadd.s32 $0xFFFFC000  }
0x46: {  	[spmem:s2] =	stream.indirect.scatter.add.f32 [tilespmem:s18], [sflag:$0x2], $0x80, s31, s17, $0xb8;
	[tilespmem:$0x1A800] =	vst v63  }
0x47: {  	_ =	swait.ge [sflag:s14], $0x4000  }
0x48: {  	s21 =	simm.s32 $0x400;
	s20 =	simm.s32 $0x200;
	[sflag:s14] =	ssyncset.done $0x0  }
.LBB2_4:
0x49: {  	s22 =	sshra.s32 s20, $0x2  }
0x4a: {  	[sflag:s14] =	ssyncadd.s32 $0xFFFFC000;
	s20 =	smov.u32 s21;
	s23 =	sadd.s32 $0x200, s21  }
0x4b: {  	[tilespmem:s18], [sflag:$0x1] =	stream.indirect.gather [hbm4b:s4+s17], $0x80, s22, s17, $0xb8;
	[tilespmem:$0x1A800] =	vst v63  }
0x4c: {  	p0 =	sne.s32 s21, $0x4E00;
	_ =	swait.ge [sflag:s16], $0x4000  }
.Ltmp1:
0x4d: {  	[sflag:s16] =	ssyncset.done $0x0;
	(pc) =	sbr.rel @p0 .LBB2_4-.Ltmp1, $4  }
0x4e: {  	s21 =	sadd.s32 $0x1400, s22;
	[sflag:s16] =	ssyncadd.s32 $0xFFFFC000  }
0x4f: {  	[spmem:s2] =	stream.indirect.scatter.add.f32 [tilespmem:s18], [sflag:$0x2], $0x80, s21, s17, $0xb8;
	[tilespmem:$0x1A800] =	vst v63  }
0x50: {  	_ =	swait.ge [sflag:s14], $0x4000  }
0x51: {  	s21 =	smov.u32 s23;
	[sflag:s14] =	ssyncset.done $0x0  }
0x52: {  	s20 =	sshra.s32 s20, $0x2;
	[sflag:s14] =	ssyncadd.s32 $0xFFFFC000  }
0x53: {  	[tilespmem:s18], [sflag:$0x1] =	stream.indirect.gather [hbm4b:s4+s17], $0x80, s20, s17, $0xb8;
	[tilespmem:$0x1A800] =	vst v63  }
0x54: {  	_ =	swait.ge [sflag:s16], $0x4000  }
0x55: {  	[sflag:s16] =	ssyncset.done $0x0  }
0x56: {  	s20 =	sadd.s32 $0x1400, s20;
	[sflag:s16] =	ssyncadd.s32 $0xFFFFC000  }
0x57: {  	[spmem:s2] =	stream.indirect.scatter.add.f32 [tilespmem:s18], [sflag:$0x2], $0x80, s20, s17, $0xb8;
	[tilespmem:$0x1A800] =	vst v63  }
0x58: {  	_ =	swait.ge [sflag:s14], $0x4000  }
0x59: {  	s19 =	sadd.s32 $0x1, s19;
	[sflag:s14] =	ssyncset.done $0x0  }
0x5a: {  	p0 =	sne.s32 s19, s8;
	[sflag:s14] =	ssyncadd.s32 $0xFFFFC000  }
.Ltmp2:
0x5b: {  	[bflag:$0x0] =	sbarrier.arrive $0xFFFF;
	(pc) =	sbr.rel @p0 .LBB2_1-.Ltmp2, $4  }
0x5c: {  	[hbm:s7], [sflag:s6] =	dma.local [spmem:s13], $0x2800  }
0x5d: {  	_ =	swait.ge [sflag:s14], $0x2800  }
0x5e: {  	[sflag:s14] =	ssyncset.done $0x0  }
0x5f: {  	[sflag:s14] =	ssyncadd.s32 $0xFFFFD800  }
0x60: {  	_ =	sfence.sel $0x180000  }
0x61: {  	[bflag:$0x0] =	sbarrier.arrive $0xFFFF  }
0x62: {  	p0 =	sne.s32 s1, $0x0;
	_ =	strace $0x9000004D  }
0x63: {  	s0 =	sadd.s32 @!p0 $0x100000, s0;
	[bflag:$0x2] =	sbarrier.arrive $0xFFFF  }
0x64: {  	[sflag:s0] =	ssyncadd.tile.s32 @!p0 $0x1;
	_ =	shalt  }
.Lfunc_end2:
_tile_overlayer_lowered:
.L_overlay_start_2:
0x65: {  	(tag) =	ssettag $0x2  }
0x66: {  	s0 =	rddreg [dreg:$0x0];
	s2 =	stileid.u32  }
0x67: {  	s1 =	rddreg [dreg:$0x1];
	p0 =	sne.s32 s2, $0x0  }
0x68: {  	s3 =	rddreg [dreg:$0x2];
	[bflag:$0x3] =	sbarrier.arrive $0xFFFF;
	s2 =	simm.s32 @!p0 $0x1C02  }
0x69: {  	[timem:s3], [sflag:s2] =	dma.local @!p0 [hbm:s0], s1  }
0x6a: {  	s0 =	simm.s32 @!p0 $0x2  }
0x6b: {  	_ =	swait.ge @!p0 [sflag:s0], s1  }
0x6c: {  	s1 =	ssub.s32 @!p0 $0x0, s1;
	[sflag:s0] =	ssyncset.done @!p0 $0x0  }
0x6d: {  	[sflag:s0] =	ssyncadd.s32 @!p0 s1  }
0x6e: {  	[bflag:$0x3] =	sbarrier.arrive $0xFFFF  }
0x6f: {  	_ =	shalt  }

// kernel: kernel.8.cloned.1.call-start
scs
__scs_entry_jumppad:
0x0: {  	(pc) =	sbr.rel $0x88, $3  }
0x1: {  	(tag) =	ssettag $0x0;
	lr =	simm.s32 $0x1  }
0x2: {  	[smem:$0x3F99] =	sst lr;
	_ =	strace $0xD0000000  }
0x3: {  	_ = 	snop  }
0x4: {  	_ = 	snop  }
0x5: {  	_ = 	snop  }
0x6: {  	_ = 	snop  }
0x7: {  	_ = 	snop  }
__scs_overlays_trampoline_lowered:
0x8: {  	[smem:$0x3FA8] =	sst s0  }
0x9: {  	[smem:$0x3FA9] =	sst s1  }
0xa: {  	[smem:$0x3FAA] =	sst s2  }
0xb: {  	[smem:$0x3FAB] =	sst s3  }
0xc: {  	[smem:$0x3FAC] =	sst s4  }
0xd: {  	[smem:$0x3FAD] =	sst s5  }
0xe: {  	[smem:$0x3FAE] =	sst s6  }
0xf: {  	[smem:$0x3FAF] =	sst s7  }
0x10: {  	[smem:$0x3FB0] =	sst s8  }
0x11: {  	[smem:$0x3FB1] =	sst s9;
	s0 =	simm.s32 @!p0 $0x0  }
0x12: {  	s1 =	sld [smem:$0x3F97];
	s0 =	simm.s32 @p0 $0x1  }
0x13: {  	[smem:$0x3FB2] =	sst s0;
	s0 =	simm.s32 @!p1 $0x0  }
0x14: {  	s2 =	sld [smem:$0x3F96];
	s0 =	simm.s32 @p1 $0x1  }
0x15: {  	[smem:$0x3FB3] =	sst s0;
	s0 =	simm.s32 @!p2 $0x0  }
0x16: {  	s3 =	sld [smem:$0x3FDB];
	s0 =	simm.s32 @p2 $0x1  }
0x17: {  	s4 =	simm.s32 $0x1BF5;
	[smem:$0x3FB5] =	sst s0  }
0x18: {  	s0 =	sld [smem:$0x3F98];
	_ =	swait.ge [sflag:s4], $0x0  }
0x19: {  	s7 =	sld [smem:$0x3F99]  }
0x1a: {  	s8 =	sadd.s32 $0xFFFFE003, lr  }
0x1b: {  	s9 =	sadd.s32 $0xFFFFFEF7, lr;
	s5 =	simm.s32 $0xFFFFFFFF;
	p2 =	slt.u32 s8, $0xFFFFF086  }
0x1c: {  	p1 =	slt.u32 s9, $0xF7A;
	s5 =	simm.s32 @!p2 $0x0  }
0x1d: {  	s5 =	simm.s32 @p1 $0x1;
	p0 =	seq.s32 s7, s2  }
0x1e: {  	s7 =	smul.u32 @!p0 $0xF7A, s2;
	p2 =	seq.s32 @!p0 s5, $0x0  }
0x1f: {  	s9 =	smul.u32 $0xF7A, s1;
	s8 =	simm.s32 @!p0 $0x1BF5;
	p2 =	por !p2, p0  }
0x20: {  	[sflag:s8] =	ssyncset.s32 @!p0 $0xFFFFF086;
	s6 =	sadd.s32 @!p0 s3, s7;
	s7 =	simm.s32 @!p0 $0x108  }
0x21: {  	s3 =	sadd.s32 s3, s9;
	s6 =	sadd.s32 @!p0 $0x88, s6;
	s7 =	simm.s32 @p2 $0x1082  }
0x22: {  	[simem:s7], [sflag:s8] =	dma.local @!p0 [hbm:s6], $0xF7A  }
0x23: {  	s9 =	sor.u32 $0xD0000000, s2;
	s6 =	simm.s32 $0x108;
	_ =	swait.ge @!p0 [sflag:s8], $0x0  }
0x24: {  	s3 =	sadd.s32 $0x88, s3;
	s6 =	simm.s32 @!p1 $0x1082;
	[sflag:s4] =	ssyncset.s32 $0xFFFFF086  }
0x25: {  	[simem:s6], [sflag:s4] =	dma.local [hbm:s3], $0xF7A  }
0x26: {  	[smem:$0x3F99] =	sst s1;
	(tag) =	ssettag s2;
	_ =	strace s9  }
0x27: {  	s1 =	sld [smem:$0x3FA9]  }
0x28: {  	s2 =	sld [smem:$0x3FAA]  }
0x29: {  	s4 =	sld [smem:$0x3FAC]  }
0x2a: {  	p0 =	seq.s32 s5, $0x0;
	s5 =	sld [smem:$0x3FAD]  }
0x2b: {  	s6 =	sld [smem:$0x3FAE]  }
0x2c: {  	s7 =	sld [smem:$0x3FAF]  }
0x2d: {  	s3 =	simm.s32 $0x108;
	s8 =	sld [smem:$0x3FB0]  }
0x2e: {  	s3 =	simm.s32 @!p0 $0x1082;
	s9 =	sld [smem:$0x3FB1]  }
0x2f: {  	lr =	sadd.s32 s0, s3;
	s0 =	sld [smem:$0x3FA8]  }
0x30: {  	s3 =	sld [smem:$0x3FAB]  }
0x31: {  	[smem:$0x3FB4] =	sst s10  }
0x32: {  	s10 =	sld [smem:$0x3FB2];
	_ =	sdelay $0x3  }
0x33: {  	p0 =	seq.s32 s10, $0x1;
	s10 =	sld [smem:$0x3FB4];
	_ =	sdelay $0x3  }
0x34: {  	[smem:$0x3FB4] =	sst s10  }
0x35: {  	s10 =	sld [smem:$0x3FB3];
	_ =	sdelay $0x3  }
0x36: {  	p1 =	seq.s32 s10, $0x1;
	s10 =	sld [smem:$0x3FB4];
	_ =	sdelay $0x3  }
0x37: {  	[smem:$0x3FB4] =	sst s10  }
0x38: {  	s10 =	sld [smem:$0x3FB5]  }
0x39: {  	_ = 	snop;
	(pc) =	sbr.ind lr, $3  }
0x3a: {  	_ = 	snop  }
0x3b: {  	_ = 	snop  }
0x3c: {  	p2 =	seq.s32 s10, $0x1;
	s10 =	sld [smem:$0x3FB4]  }
0x3d: {  	_ =	shalt  }
0x3e: {  	_ =	shalt  }
0x3f: {  	_ =	shalt  }
0x40: {  	_ =	shalt  }
0x41: {  	_ =	shalt  }
0x42: {  	_ =	shalt  }
0x43: {  	_ =	shalt  }
0x44: {  	_ =	shalt  }
0x45: {  	_ =	shalt  }
0x46: {  	_ =	shalt  }
0x47: {  	_ =	shalt  }
0x48: {  	_ =	shalt  }
0x49: {  	_ =	shalt  }
0x4a: {  	_ =	shalt  }
0x4b: {  	_ =	shalt  }
0x4c: {  	_ =	shalt  }
0x4d: {  	_ =	shalt  }
0x4e: {  	_ =	shalt  }
0x4f: {  	_ =	shalt  }
0x50: {  	_ =	shalt  }
0x51: {  	_ =	shalt  }
0x52: {  	_ =	shalt  }
0x53: {  	_ =	shalt  }
0x54: {  	_ =	shalt  }
0x55: {  	_ =	shalt  }
0x56: {  	_ =	shalt  }
0x57: {  	_ =	shalt  }
0x58: {  	_ =	shalt  }
0x59: {  	_ =	shalt  }
0x5a: {  	_ =	shalt  }
0x5b: {  	_ =	shalt  }
0x5c: {  	_ =	shalt  }
0x5d: {  	_ =	shalt  }
0x5e: {  	_ =	shalt  }
0x5f: {  	_ =	shalt  }
0x60: {  	_ =	shalt  }
0x61: {  	_ =	shalt  }
0x62: {  	_ =	shalt  }
0x63: {  	_ =	shalt  }
0x64: {  	_ =	shalt  }
0x65: {  	_ =	shalt  }
0x66: {  	_ =	shalt  }
0x67: {  	_ =	shalt  }
0x68: {  	_ =	shalt  }
0x69: {  	_ =	shalt  }
0x6a: {  	_ =	shalt  }
0x6b: {  	_ =	shalt  }
0x6c: {  	_ =	shalt  }
0x6d: {  	_ =	shalt  }
0x6e: {  	_ =	shalt  }
0x6f: {  	_ =	shalt  }
0x70: {  	_ =	shalt  }
0x71: {  	_ =	shalt  }
0x72: {  	_ =	shalt  }
0x73: {  	_ =	shalt  }
0x74: {  	_ =	shalt  }
0x75: {  	_ =	shalt  }
0x76: {  	_ =	shalt  }
0x77: {  	_ =	shalt  }
0x78: {  	_ =	shalt  }
0x79: {  	_ =	shalt  }
0x7a: {  	_ =	shalt  }
0x7b: {  	_ =	shalt  }
0x7c: {  	_ =	shalt  }
0x7d: {  	_ =	shalt  }
0x7e: {  	_ =	shalt  }
0x7f: {  	_ =	shalt  }
0x80: {  	_ =	shalt  }
0x81: {  	_ =	shalt  }
0x82: {  	_ =	shalt  }
0x83: {  	_ =	shalt  }
0x84: {  	_ =	shalt  }
0x85: {  	_ =	shalt  }
0x86: {  	_ =	shalt  }
0x87: {  	_ =	shalt  }
.Lfunc_end0:
.L_simem_size_0:
called_computation_lowered:
.L_overlay_start_0:
0x88: {  	s2 =	sld [smem:$0x3FD9]  }
0x89: {  	s3 =	sld [smem:$0x3FFE];
	_ =	sdelay $0x1  }
0x8a: {  	s1 =	srdreg.scid  }
0x8b: {  	s0 =	sand.u32 $0x1, s1  }
0x8c: {  	s16 =	sshll.u32 s0, $0xA;
	s2 =	sadd.s32 s3, s2  }
0x8d: {  	s2 =	sadd.s32 s2, s16  }
0x8e: {  	[smem:$0x3FC0] =	sst s2  }
0x8f: {  	_ = 	snop  }
0x90: {  	(tm) =	ssettm $0x1  }
0x91: {  	s17 =	sld [smem:$0x3FFB];
	_ =	sdelay $0x3  }
0x92: {  	_ =	strace s17  }
0x93: {  	s2 =	sld [smem:$0x3FFC];
	_ =	sdelay $0x3  }
0x94: {  	_ =	strace s2  }
0x95: {  	s2 =	sld [smem:$0x3FFD];
	_ =	sdelay $0x3  }
0x96: {  	_ =	strace s2  }
0x97: {  	_ =	strace $0x8FFFFFFF  }
0x98: {  	s18 =	sld [smem:$0x3FDB];
	_ =	sdelay $0x1  }
0x99: {  	s19 =	simm.s32 $_scs_section_size  }
0x9a: {  	s4 =	simm.s32 $_size__tile_overlayer_lowered;
	s5 =	simm.s32 $_tile_overlayer_lowered  }
0x9b: {  	s22 =	simm.s32 $0x1BFF;
	s21 =	sshll.u32 s5, $0x1;
	s2 =	sadd.s32 s19, s18  }
0x9c: {  	s6 =	simm.s32 $0x0;
	s20 =	sshll.u32 s4, $0x1;
	s4 =	sadd.s32 s21, s2  }
0x9d: {  	[timem:s6], [sflag:s22] =	dma.local [hbm:s4], s20  }
0x9e: {  	_ =	swait.ge [sflag:s22], s20  }
0x9f: {  	s3 =	ssub.s32 $0x0, s20;
	[sflag:s22] =	ssyncset.done $0x0  }
0xa0: {  	[sflag:s22] =	ssyncadd.s32 s3;
	_ =	sdelay $0x1  }
0xa1: {  	s23 =	simm.s32 $0x1B8B  }
0xa2: {  	_ =	swait.ge [sflag:s23], $0x1  }
0xa3: {  	[sflag:s23] =	ssyncset.done $0x0  }
0xa4: {  	s25 =	simm.s32 $0x1B8E;
	s24 =	sld [smem:$0x3FFE];
	[sflag:s23] =	ssyncadd.s32 $0xFFFFFFFF  }
0xa5: {  	s26 =	simm.s32 $execute0_lowered;
	[smem:$0x3FD2] =	sst s25  }
0xa6: {  	s4 =	sshll.u32 s26, $0x1;
	_ =	strace $0x80000046;
	[dreg:$0x1] =	wrdreg $0xFFFFFFFF  }
0xa7: {  	s28 =	simm.s32 $_size_execute0_lowered;
	s2 =	sadd.s32 s2, s4;
	[dreg:$0x0] =	wrdreg $0x0  }
0xa8: {  	s4 =	sshll.u32 s28, $0x1;
	[dreg:$0x2] =	wrdreg s2  }
0xa9: {  	[dreg:$0x3] =	wrdreg s4  }
0xaa: {  	[dreg:$0x4] =	wrdreg $0xC0  }
0xab: {  	_ =	task [dreg:s6], $0x5FFFF  }
0xac: {  	[dreg:$0x1] =	wrdreg $0xFFFFFFFF  }
0xad: {  	[dreg:$0x0] =	wrdreg $0x60  }
0xae: {  	[dreg:$0x2] =	wrdreg s24  }
0xaf: {  	[dreg:$0x3] =	wrdreg $0x1A4000  }
0xb0: {  	[dreg:$0x4] =	wrdreg $0x9  }
0xb1: {  	_ =	task.clear_ibuf [dreg:s6], $0x5FFFF;
	_ =	strace $0x90000046  }
0xb2: {  	s29 =	simm.s32 $0x9;
	_ =	strace $0x80000048  }
0xb3: {  	_ =	swait.ge [sflag:s29], $0x1  }
0xb4: {  	[sflag:s29] =	ssyncadd.s32 $0xFFFFFFFF  }
0xb5: {  	_ =	strace $0x90000048  }
0xb6: {  	_ =	sfence  }
0xb7: {  	s30 =	sld [smem:$0x0];
	_ =	sdelay $0x2  }
0xb8: {  	s31 =	sshll.u32 s1, $0xD;
	s1 =	sshrl.u32 s1, $0x2  }
0xb9: {  	s3 =	sand.u32 $0x4000, s31;
	s1 =	sadd.s32 s1, s30  }
0xba: {  	s0 =	sor.u32 s3, s0;
	s1 =	sshll.u32 s1, $0x11  }
0xbb: {  	s0 =	sor.u32 s1, s0  }
0xbc: {  	s0 =	sadd.s32 $0x8F2B, s0  }
0xbd: {  	[sflag:s0] =	ssyncadd.remote.s32 $0x1  }
0xbe: {  	_ =	sfence.sel $0xFFFF  }
0xbf: {  	[dreg:$0x0] =	wrdreg $0xFFFFFFFF;
	(pc) =	sbr.abs _section_cstart, $3  }
0xc0: {  	[dreg:$0x1] =	wrdreg $0xFFFFFFFF  }
0xc1: {  	_ =	task.clear_ibuf [dreg:s6], $0x2FFFF;
	_ =	strace $0x9FFFFFFF  }
0xc2: {  	(tm) =	ssettm $0x7FFFFFFF  }
0xc3: {  	_ =	shalt  }
tec
execute0_lowered:
.L_overlay_start_1:
0x0: {  	(tag) =	ssettag $0x1  }
0x1: {  	s4 =	rddreg [dreg:$0x0]  }
0x2: {  	s8 =	rddreg [dreg:$0x1]  }
0x3: {  	s0 =	rddreg [dreg:$0x2];
	s2 =	simm.s32 $0x0;
	s1 =	stileid.u32  }
0x4: {  	s3 =	srdreg.scid;
	s16 =	simm.s32 $0x1;
	s17 =	simm.s32 $0x80  }
0x5: {  	s18 =	simm.s32 $0x400;
	s19 =	simm.s32 $0x14000;
	s20 =	simm.s32 $0x3C00  }
0x6: {  	s21 =	simm.s32 $0x0;
	[smem:$0x7FF] =	sst s2;
	s5 =	smul.u32 $0x14000, s1  }
0x7: {  	s6 =	sadd.s32 $0x2E00, s4;
	s7 =	sand.u32 $0x1, s3;
	s10 =	sadd.s32 $0xCE00, s4  }
0x8: {  	s3 =	sadd.s32 $0x3EE00, s4;
	s29 =	sshrl.u32 s1, $0x3;
	s14 =	smul.u32 $0x5000, s1  }
0x9: {  	s15 =	sshll.u32 s1, $0x7;
	_ =	strace $0x80000047;
	s9 =	smul.u32 $0x140000, s7  }
0xa: {  	s12 =	sshll.u32 s7, $0x4;
	s7 =	ssub.s32 $0x2, s7;
	s30 =	smul.u32 $0x50000, s29  }
0xb: {  	s15 =	sand.u32 $0x380, s15;
	s25 =	sshrl.u32 s5, $0x3;
	s26 =	sor.u32 s1, s12  }
0xc: {  	s28 =	sshrl.u32 s7, $0x1;
	s14 =	sshrl.u32 s14, $0x2;
	s11 =	sadd.s32 s25, s4  }
0xd: {  	s5 =	sadd.s32 s5, s9;
	s12 =	ssub.s32 s7, s28;
	s7 =	sshrl.u32 s30, $0x2  }
0xe: {  	s9 =	smul.u32 $0x2800, s26;
	s5 =	sshrl.u32 s5, $0x3;
	s7 =	sadd.s32 s7, s8  }
0xf: {  	s8 =	sadd.s32 s14, s8;
	s12 =	smax.u32 s12, $0x1;
	s14 =	simm.s32 $0x2  }
0x10: {  	s13 =	sadd.s32 s5, s4;
	s4 =	sadd.s32 $0x16E00, s11;
	s9 =	sshrl.u32 s9, $0x3  }
0x11: {  	s7 =	sadd.s32 s15, s7;
	s15 =	simm.s32 $0x1400;
	s5 =	sadd.s32 s6, s9  }
0x12: {  	v1 =	vlaneseq.u32;
	s31 =	sadd.s32 $0x280, s9;
	s9 =	sadd.s32 s10, s9;
	s11 =	sadd.s32 $0x3F400, s13  }
0x13: {  	v0 =	vimm.f32 $1.000000000e+00;
	v1 =	vmul.u32 $0x80, v1;
	s13 =	simm.s32 $0x6400;
	s6 =	sadd.s32 s6, s31;
	s10 =	sadd.s32 s10, s31  }
.LBB2_1:
0x14: {  	[tilespmem:s13], [sflag:$0x2] =	stream.linear.gather [hbm4b:s4+s2], $0x14000, $0x38;
	[tilespmem:$0x1CC00] =	vst v63  }
0x15: {  	_ =	swait.ge [sflag:s14], $0x14000  }
0x16: {  	[sflag:s14] =	ssyncset.done $0x0  }
0x17: {  	[sflag:s14] =	ssyncadd.s32 $0xFFFEC000  }
0x18: {  	[tilespmem:s15], [sflag:$0x2] =	stream.linear.gather [hbm4b:s3+s2], $0x2800, $0x38;
	[tilespmem:$0x1CC00] =	vst v63  }
0x19: {  	_ =	swait.ge [sflag:s14], $0x2800  }
0x1a: {  	[sflag:s14] =	ssyncset.done $0x0  }
0x1b: {  	[sflag:s14] =	ssyncadd.s32 $0xFFFFD800  }
0x1c: {  	[tilespmem:s2], [sflag:$0x1] =	stream.linear.gather [hbm4b:s5+s2], $0x1400, $0x38;
	[tilespmem:$0x1CC00] =	vst v63  }
0x1d: {  	_ =	swait.ge [sflag:s16], $0x1400  }
0x1e: {  	[sflag:s16] =	ssyncset.done $0x0  }
0x1f: {  	s22 =	simm.s32 $0x0;
	[sflag:s16] =	ssyncadd.s32 $0xFFFFEC00  }
.LBB2_2:
0x20: {  	s23 =	sshra.s32 s22, $0x2  }
0x21: {  	v2 =	vld [tilespmem:s23+$0x0];
	_ =	sdelay $0x7  }
0x22: {  	[tilespmem:v2+s15+$0x0] =	vst.idx.add.f32.msk $0xffff, v0  }
0x23: {  	v2 =	vld [tilespmem:s23+$0x10];
	_ =	sdelay $0x7  }
0x24: {  	[tilespmem:v2+s15+$0x0] =	vst.idx.add.f32.msk $0xffff, v0  }
0x25: {  	v2 =	vld [tilespmem:s23+$0x20];
	_ =	sdelay $0x7  }
0x26: {  	[tilespmem:v2+s15+$0x0] =	vst.idx.add.f32.msk $0xffff, v0  }
0x27: {  	v2 =	vld [tilespmem:s23+$0x30];
	_ =	sdelay $0x7  }
0x28: {  	[tilespmem:v2+s15+$0x0] =	vst.idx.add.f32.msk $0xffff, v0  }
0x29: {  	v2 =	vld [tilespmem:s23+$0x40];
	_ =	sdelay $0x7  }
0x2a: {  	[tilespmem:v2+s15+$0x0] =	vst.idx.add.f32.msk $0xffff, v0  }
0x2b: {  	v2 =	vld [tilespmem:s23+$0x50];
	_ =	sdelay $0x7  }
0x2c: {  	[tilespmem:v2+s15+$0x0] =	vst.idx.add.f32.msk $0xffff, v0  }
0x2d: {  	v2 =	vld [tilespmem:s23+$0x60];
	_ =	sdelay $0x7  }
0x2e: {  	[tilespmem:v2+s15+$0x0] =	vst.idx.add.f32.msk $0xffff, v0  }
0x2f: {  	v2 =	vld [tilespmem:s23+$0x70];
	_ =	sdelay $0x2  }
0x30: {  	p0 =	sne.s32 s22, $0x4E00  }
.Ltmp0:
0x31: {  	_ = 	snop;
	(pc) =	sbr.rel @p0 .LBB2_2-.Ltmp0, $2  }
0x32: {  	_ =	sdelay $0x2  }
0x33: {  	s22 =	sadd.s32 $0x200, s22;
	[tilespmem:v2+s15+$0x0] =	vst.idx.add.f32.msk $0xffff, v0  }
0x34: {  	s22 =	simm.s32 $0x0  }
0x35: {  	[tilespmem:s22], [sflag:$0x1] =	stream.linear.gather [hbm4b:s6+s22], $0x1400, $0x38;
	[tilespmem:$0x1CC00] =	vst v63  }
0x36: {  	_ =	swait.ge [sflag:s16], $0x1400  }
0x37: {  	[sflag:s16] =	ssyncset.done $0x0  }
0x38: {  	[sflag:s16] =	ssyncadd.s32 $0xFFFFEC00  }
.LBB2_4:
0x39: {  	s23 =	sshra.s32 s22, $0x2  }
0x3a: {  	v2 =	vld [tilespmem:s23+$0x0];
	_ =	sdelay $0x7  }
0x3b: {  	[tilespmem:v2+s15+$0x0] =	vst.idx.add.f32.msk $0xffff, v0  }
0x3c: {  	v2 =	vld [tilespmem:s23+$0x10];
	_ =	sdelay $0x7  }
0x3d: {  	[tilespmem:v2+s15+$0x0] =	vst.idx.add.f32.msk $0xffff, v0  }
0x3e: {  	v2 =	vld [tilespmem:s23+$0x20];
	_ =	sdelay $0x7  }
0x3f: {  	[tilespmem:v2+s15+$0x0] =	vst.idx.add.f32.msk $0xffff, v0  }
0x40: {  	v2 =	vld [tilespmem:s23+$0x30];
	_ =	sdelay $0x7  }
0x41: {  	[tilespmem:v2+s15+$0x0] =	vst.idx.add.f32.msk $0xffff, v0  }
0x42: {  	v2 =	vld [tilespmem:s23+$0x40];
	_ =	sdelay $0x7  }
0x43: {  	[tilespmem:v2+s15+$0x0] =	vst.idx.add.f32.msk $0xffff, v0  }
0x44: {  	v2 =	vld [tilespmem:s23+$0x50];
	_ =	sdelay $0x7  }
0x45: {  	[tilespmem:v2+s15+$0x0] =	vst.idx.add.f32.msk $0xffff, v0  }
0x46: {  	v2 =	vld [tilespmem:s23+$0x60];
	_ =	sdelay $0x7  }
0x47: {  	[tilespmem:v2+s15+$0x0] =	vst.idx.add.f32.msk $0xffff, v0  }
0x48: {  	v2 =	vld [tilespmem:s23+$0x70];
	_ =	sdelay $0x2  }
0x49: {  	p0 =	sne.s32 s22, $0x4E00  }
.Ltmp1:
0x4a: {  	_ = 	snop;
	(pc) =	sbr.rel @p0 .LBB2_4-.Ltmp1, $2  }
0x4b: {  	_ =	sdelay $0x2  }
0x4c: {  	s22 =	sadd.s32 $0x200, s22;
	[tilespmem:v2+s15+$0x0] =	vst.idx.add.f32.msk $0xffff, v0  }
0x4d: {  	[spmem:s7] =	stream.strided.scatter [tilespmem:s15], [sflag:$0x2], $0x2800, s18, s17, $0x38;
	[tilespmem:$0x1CC00] =	vst v63  }
0x4e: {  	_ =	swait.ge [sflag:s14], $0x2800  }
0x4f: {  	[sflag:s14] =	ssyncset.done $0x0  }
0x50: {  	[sflag:s14] =	ssyncadd.s32 $0xFFFFD800  }
0x51: {  	[bflag:$0x0] =	sbarrier.arrive $0xFFFF  }
0x52: {  	[tilespmem:s20], [sflag:$0x2] =	stream.strided.gather [spmem:s8], $0x2800, s19, s15, $0x38;
	[tilespmem:$0x1CC00] =	vst v63  }
0x53: {  	s22 =	simm.s32 $0x0;
	s25 =	simm.s32 $0x10;
	_ =	swait.ge [sflag:s14], $0x2800  }
0x54: {  	s23 =	sand.u32 $0x70, s22;
	s24 =	sand.u32 $0x1C00, s22;
	[sflag:s14] =	ssyncset.done $0x0  }
0x55: {  	s23 =	sor.u32 s23, s24;
	s24 =	simm.s32 $0x0;
	[sflag:s14] =	ssyncadd.s32 $0xFFFFD800  }
.LBB2_6:
0x56: {  	p0 =	sne.s32 s25, $0x270;
	v2 =	vld [tilespmem:s23+$0x3C80]  }
0x57: {  	v3 =	vld [tilespmem:s23+$0x3C00];
	_ =	sdelay $0x1  }
0x58: {  	v4 =	vld [tilespmem:s23+$0x3D00];
	_ =	sdelay $0x1  }
0x59: {  	v5 =	vld [tilespmem:s23+$0x3D80]  }
0x5a: {  	v2 =	vadd.f32 v2, v3  }
0x5b: {  	v3 =	vld [tilespmem:s23+$0x3E00]  }
0x5c: {  	v2 =	vadd.f32 v4, v2  }
0x5d: {  	v4 =	vld [tilespmem:s23+$0x3E80]  }
0x5e: {  	v2 =	vadd.f32 v5, v2  }
0x5f: {  	s26 =	sor.u32 s24, s22;
	v5 =	vld [tilespmem:s23+$0x3F00]  }
0x60: {  	s26 =	sor.u32 $0x380, s26;
	v2 =	vadd.f32 v3, v2  }
0x61: {  	v3 =	vld [tilespmem:s26+$0x3C00]  }
0x62: {  	v2 =	vadd.f32 v4, v2  }
0x63: {  	v4 =	vld [tilespmem:s23+$0x5000]  }
0x64: {  	v2 =	vadd.f32 v5, v2  }
0x65: {  	v5 =	vld [tilespmem:s23+$0x5080]  }
0x66: {  	v2 =	vadd.f32 v3, v2  }
0x67: {  	v3 =	vld [tilespmem:s23+$0x5100]  }
0x68: {  	v2 =	vadd.f32 v4, v2  }
0x69: {  	v4 =	vld [tilespmem:s23+$0x5180]  }
0x6a: {  	v2 =	vadd.f32 v5, v2  }
0x6b: {  	v5 =	vld [tilespmem:s23+$0x5200]  }
0x6c: {  	v2 =	vadd.f32 v3, v2  }
0x6d: {  	v3 =	vld [tilespmem:s23+$0x5280]  }
0x6e: {  	v2 =	vadd.f32 v4, v2  }
0x6f: {  	v4 =	vld [tilespmem:s23+$0x5300]  }
0x70: {  	v2 =	vadd.f32 v5, v2  }
0x71: {  	v6 =	vmov s22;
	s22 =	smov.u32 s25;
	v5 =	vld [tilespmem:s23+$0x5380]  }
0x72: {  	v2 =	vadd.f32 v3, v2;
	v3 =	vshll.u32 v6, $0x7  }
0x73: {  	v3 =	vor.u32 v1, v3  }
.Ltmp2:
0x74: {  	v2 =	vadd.f32 v4, v2;
	(pc) =	sbr.rel @p0 .LBB2_6-.Ltmp2, $4  }
0x75: {  	_ = 	snop  }
0x76: {  	s24 =	sadd.s32 $0x80, s24;
	v2 =	vadd.f32 v5, v2  }
0x77: {  	s26 =	sand.u32 $0x1C00, s24;
	s23 =	sand.u32 $0x70, s25  }
0x78: {  	s25 =	sadd.s32 $0x10, s25;
	s23 =	sor.u32 s23, s26;
	[tilespmem:v3+s13+$0x0] =	vst.idx.msk $0xffff, v2  }
0x79: {  	v2 =	vld [tilespmem:s23+$0x3C80]  }
0x7a: {  	v3 =	vld [tilespmem:s23+$0x3C00];
	_ =	sdelay $0x1  }
0x7b: {  	v4 =	vld [tilespmem:s23+$0x3D00];
	_ =	sdelay $0x1  }
0x7c: {  	v5 =	vld [tilespmem:s23+$0x3D80]  }
0x7d: {  	v2 =	vadd.f32 v2, v3  }
0x7e: {  	v3 =	vld [tilespmem:s23+$0x3E00]  }
0x7f: {  	v2 =	vadd.f32 v4, v2  }
0x80: {  	v56 =	vld [tilespmem:s23+$0x3E80]  }
0x81: {  	v2 =	vadd.f32 v5, v2  }
0x82: {  	v57 =	vld [tilespmem:s23+$0x3F00];
	s24 =	sor.u32 s24, s22  }
0x83: {  	s24 =	sor.u32 $0x380, s24;
	v2 =	vadd.f32 v3, v2  }
0x84: {  	v3 =	vld [tilespmem:s24+$0x3C00]  }
0x85: {  	v2 =	vadd.f32 v56, v2  }
0x86: {  	v58 =	vld [tilespmem:s23+$0x5000]  }
0x87: {  	v2 =	vadd.f32 v57, v2  }
0x88: {  	v59 =	vld [tilespmem:s23+$0x5080]  }
0x89: {  	v2 =	vadd.f32 v3, v2  }
0x8a: {  	v3 =	vld [tilespmem:s23+$0x5100]  }
0x8b: {  	v2 =	vadd.f32 v58, v2  }
0x8c: {  	v60 =	vld [tilespmem:s23+$0x5180]  }
0x8d: {  	v2 =	vadd.f32 v59, v2  }
0x8e: {  	v61 =	vld [tilespmem:s23+$0x5200]  }
0x8f: {  	v2 =	vadd.f32 v3, v2  }
0x90: {  	v3 =	vld [tilespmem:s23+$0x5280]  }
0x91: {  	v2 =	vadd.f32 v60, v2  }
0x92: {  	v62 =	vld [tilespmem:s23+$0x5300]  }
0x93: {  	v2 =	vadd.f32 v61, v2  }
0x94: {  	v63 =	vld [tilespmem:s23+$0x5380];
	v6 =	vmov s22  }
0x95: {  	v2 =	vadd.f32 v3, v2;
	v3 =	vshll.u32 v6, $0x7  }
0x96: {  	v3 =	vor.u32 v1, v3  }
0x97: {  	v2 =	vadd.f32 v62, v2;
	_ =	sdelay $0x1  }
0x98: {  	v2 =	vadd.f32 v63, v2;
	_ =	sdelay $0x1  }
0x99: {  	[tilespmem:v3+s13+$0x0] =	vst.idx.msk $0xffff, v2  }
0x9a: {  	s22 =	simm.s32 $0x0;
	[bflag:$0x0] =	sbarrier.arrive $0xFFFF  }
0x9b: {  	[tilespmem:s15], [sflag:$0x2] =	stream.linear.gather [hbm4b:s3+s22], $0x2800, $0x38;
	[tilespmem:$0x1CC00] =	vst v63  }
0x9c: {  	_ =	swait.ge [sflag:s14], $0x2800  }
0x9d: {  	[sflag:s14] =	ssyncset.done $0x0  }
0x9e: {  	[sflag:s14] =	ssyncadd.s32 $0xFFFFD800  }
0x9f: {  	[tilespmem:s22], [sflag:$0x1] =	stream.linear.gather [hbm4b:s9+s22], $0x1400, $0x38;
	[tilespmem:$0x1CC00] =	vst v63  }
0xa0: {  	_ =	swait.ge [sflag:s16], $0x1400  }
0xa1: {  	[sflag:s16] =	ssyncset.done $0x0  }
0xa2: {  	[sflag:s16] =	ssyncadd.s32 $0xFFFFEC00  }
.LBB2_8:
0xa3: {  	s23 =	sshra.s32 s22, $0x2  }
0xa4: {  	v2 =	vld [tilespmem:s23+$0x0];
	_ =	sdelay $0x7  }
0xa5: {  	[tilespmem:v2+s15+$0x0] =	vst.idx.add.f32.msk $0xffff, v0  }
0xa6: {  	v2 =	vld [tilespmem:s23+$0x10];
	_ =	sdelay $0x7  }
0xa7: {  	[tilespmem:v2+s15+$0x0] =	vst.idx.add.f32.msk $0xffff, v0  }
0xa8: {  	v2 =	vld [tilespmem:s23+$0x20];
	_ =	sdelay $0x7  }
0xa9: {  	[tilespmem:v2+s15+$0x0] =	vst.idx.add.f32.msk $0xffff, v0  }
0xaa: {  	v2 =	vld [tilespmem:s23+$0x30];
	_ =	sdelay $0x7  }
0xab: {  	[tilespmem:v2+s15+$0x0] =	vst.idx.add.f32.msk $0xffff, v0  }
0xac: {  	v2 =	vld [tilespmem:s23+$0x40];
	_ =	sdelay $0x7  }
0xad: {  	[tilespmem:v2+s15+$0x0] =	vst.idx.add.f32.msk $0xffff, v0  }
0xae: {  	v2 =	vld [tilespmem:s23+$0x50];
	_ =	sdelay $0x7  }
0xaf: {  	[tilespmem:v2+s15+$0x0] =	vst.idx.add.f32.msk $0xffff, v0  }
0xb0: {  	v2 =	vld [tilespmem:s23+$0x60];
	_ =	sdelay $0x7  }
0xb1: {  	[tilespmem:v2+s15+$0x0] =	vst.idx.add.f32.msk $0xffff, v0  }
0xb2: {  	v2 =	vld [tilespmem:s23+$0x70];
	_ =	sdelay $0x2  }
0xb3: {  	p0 =	sne.s32 s22, $0x4E00  }
.Ltmp3:
0xb4: {  	_ = 	snop;
	(pc) =	sbr.rel @p0 .LBB2_8-.Ltmp3, $2  }
0xb5: {  	_ =	sdelay $0x2  }
0xb6: {  	s22 =	sadd.s32 $0x200, s22;
	[tilespmem:v2+s15+$0x0] =	vst.idx.add.f32.msk $0xffff, v0  }
0xb7: {  	s22 =	simm.s32 $0x0  }
0xb8: {  	[tilespmem:s22], [sflag:$0x1] =	stream.linear.gather [hbm4b:s10+s22], $0x1400, $0x38;
	[tilespmem:$0x1CC00] =	vst v63  }
0xb9: {  	_ =	swait.ge [sflag:s16], $0x1400  }
0xba: {  	[sflag:s16] =	ssyncset.done $0x0  }
0xbb: {  	[sflag:s16] =	ssyncadd.s32 $0xFFFFEC00  }
.LBB2_10:
0xbc: {  	s23 =	sshra.s32 s22, $0x2  }
0xbd: {  	v2 =	vld [tilespmem:s23+$0x0];
	_ =	sdelay $0x7  }
0xbe: {  	[tilespmem:v2+s15+$0x0] =	vst.idx.add.f32.msk $0xffff, v0  }
0xbf: {  	v2 =	vld [tilespmem:s23+$0x10];
	_ =	sdelay $0x7  }
0xc0: {  	[tilespmem:v2+s15+$0x0] =	vst.idx.add.f32.msk $0xffff, v0  }
0xc1: {  	v2 =	vld [tilespmem:s23+$0x20];
	_ =	sdelay $0x7  }
0xc2: {  	[tilespmem:v2+s15+$0x0] =	vst.idx.add.f32.msk $0xffff, v0  }
0xc3: {  	v2 =	vld [tilespmem:s23+$0x30];
	_ =	sdelay $0x7  }
0xc4: {  	[tilespmem:v2+s15+$0x0] =	vst.idx.add.f32.msk $0xffff, v0  }
0xc5: {  	v2 =	vld [tilespmem:s23+$0x40];
	_ =	sdelay $0x7  }
0xc6: {  	[tilespmem:v2+s15+$0x0] =	vst.idx.add.f32.msk $0xffff, v0  }
0xc7: {  	v2 =	vld [tilespmem:s23+$0x50];
	_ =	sdelay $0x7  }
0xc8: {  	[tilespmem:v2+s15+$0x0] =	vst.idx.add.f32.msk $0xffff, v0  }
0xc9: {  	v2 =	vld [tilespmem:s23+$0x60];
	_ =	sdelay $0x7  }
0xca: {  	[tilespmem:v2+s15+$0x0] =	vst.idx.add.f32.msk $0xffff, v0  }
0xcb: {  	v2 =	vld [tilespmem:s23+$0x70];
	_ =	sdelay $0x2  }
0xcc: {  	p0 =	sne.s32 s22, $0x4E00  }
.Ltmp4:
0xcd: {  	_ = 	snop;
	(pc) =	sbr.rel @p0 .LBB2_10-.Ltmp4, $2  }
0xce: {  	_ =	sdelay $0x2  }
0xcf: {  	s22 =	sadd.s32 $0x200, s22;
	[tilespmem:v2+s15+$0x0] =	vst.idx.add.f32.msk $0xffff, v0  }
0xd0: {  	[spmem:s7] =	stream.strided.scatter [tilespmem:s15], [sflag:$0x2], $0x2800, s18, s17, $0x38;
	[tilespmem:$0x1CC00] =	vst v63  }
0xd1: {  	_ =	swait.ge [sflag:s14], $0x2800  }
0xd2: {  	[sflag:s14] =	ssyncset.done $0x0  }
0xd3: {  	[sflag:s14] =	ssyncadd.s32 $0xFFFFD800  }
0xd4: {  	[bflag:$0x0] =	sbarrier.arrive $0xFFFF  }
0xd5: {  	[tilespmem:s20], [sflag:$0x2] =	stream.strided.gather [spmem:s8], $0x2800, s19, s15, $0x38;
	[tilespmem:$0x1CC00] =	vst v63  }
0xd6: {  	s22 =	simm.s32 $0x0;
	s25 =	simm.s32 $0x10;
	_ =	swait.ge [sflag:s14], $0x2800  }
0xd7: {  	s23 =	sand.u32 $0x70, s22;
	s24 =	sand.u32 $0x1C00, s22;
	[sflag:s14] =	ssyncset.done $0x0  }
0xd8: {  	s23 =	sor.u32 s23, s24;
	s24 =	simm.s32 $0x0;
	[sflag:s14] =	ssyncadd.s32 $0xFFFFD800  }
.LBB2_12:
0xd9: {  	p0 =	sne.s32 s25, $0x270;
	v2 =	vld [tilespmem:s23+$0x3C80]  }
0xda: {  	v3 =	vld [tilespmem:s23+$0x3C00];
	_ =	sdelay $0x1  }
0xdb: {  	v4 =	vld [tilespmem:s23+$0x3D00];
	_ =	sdelay $0x1  }
0xdc: {  	v5 =	vld [tilespmem:s23+$0x3D80]  }
0xdd: {  	v2 =	vadd.f32 v2, v3  }
0xde: {  	v3 =	vld [tilespmem:s23+$0x3E00]  }
0xdf: {  	v2 =	vadd.f32 v4, v2  }
0xe0: {  	v4 =	vld [tilespmem:s23+$0x3E80]  }
0xe1: {  	v2 =	vadd.f32 v5, v2  }
0xe2: {  	s26 =	sor.u32 s24, s22;
	v5 =	vld [tilespmem:s23+$0x3F00]  }
0xe3: {  	s26 =	sor.u32 $0x380, s26;
	v2 =	vadd.f32 v3, v2  }
0xe4: {  	v3 =	vld [tilespmem:s26+$0x3C00]  }
0xe5: {  	v2 =	vadd.f32 v4, v2  }
0xe6: {  	v4 =	vld [tilespmem:s23+$0x5000]  }
0xe7: {  	v2 =	vadd.f32 v5, v2  }
0xe8: {  	v5 =	vld [tilespmem:s23+$0x5080]  }
0xe9: {  	v2 =	vadd.f32 v3, v2  }
0xea: {  	v3 =	vld [tilespmem:s23+$0x5100]  }
0xeb: {  	v2 =	vadd.f32 v4, v2  }
0xec: {  	v4 =	vld [tilespmem:s23+$0x5180]  }
0xed: {  	v2 =	vadd.f32 v5, v2  }
0xee: {  	v5 =	vld [tilespmem:s23+$0x5200]  }
0xef: {  	v2 =	vadd.f32 v3, v2  }
0xf0: {  	v3 =	vld [tilespmem:s23+$0x5280]  }
0xf1: {  	v2 =	vadd.f32 v4, v2  }
0xf2: {  	v4 =	vld [tilespmem:s23+$0x5300]  }
0xf3: {  	v2 =	vadd.f32 v5, v2;
	v5 =	vmov s22;
	s22 =	smov.u32 s25  }
0xf4: {  	v6 =	vld [tilespmem:s23+$0x5380];
	v5 =	vshll.u32 v5, $0x7  }
0xf5: {  	v2 =	vadd.f32 v3, v2;
	v3 =	vor.u32 v1, v5  }
0xf6: {  	v3 =	vor.u32 $0x1, v3  }
.Ltmp5:
0xf7: {  	v2 =	vadd.f32 v4, v2;
	(pc) =	sbr.rel @p0 .LBB2_12-.Ltmp5, $4  }
0xf8: {  	_ = 	snop  }
0xf9: {  	s24 =	sadd.s32 $0x80, s24;
	v2 =	vadd.f32 v6, v2  }
0xfa: {  	s26 =	sand.u32 $0x1C00, s24;
	s23 =	sand.u32 $0x70, s25  }
0xfb: {  	s25 =	sadd.s32 $0x10, s25;
	s23 =	sor.u32 s23, s26;
	[tilespmem:v3+s13+$0x0] =	vst.idx.msk $0xffff, v2  }
0xfc: {  	v2 =	vld [tilespmem:s23+$0x3C80]  }
0xfd: {  	v3 =	vld [tilespmem:s23+$0x3C00];
	_ =	sdelay $0x1  }
0xfe: {  	v4 =	vld [tilespmem:s23+$0x3D00];
	_ =	sdelay $0x1  }
0xff: {  	v5 =	vld [tilespmem:s23+$0x3D80]  }
0x100: {  	v2 =	vadd.f32 v2, v3  }
0x101: {  	v3 =	vld [tilespmem:s23+$0x3E00]  }
0x102: {  	v2 =	vadd.f32 v4, v2  }
0x103: {  	v56 =	vld [tilespmem:s23+$0x3E80]  }
0x104: {  	v2 =	vadd.f32 v5, v2  }
0x105: {  	v57 =	vld [tilespmem:s23+$0x3F00];
	s24 =	sor.u32 s24, s22  }
0x106: {  	s24 =	sor.u32 $0x380, s24;
	v2 =	vadd.f32 v3, v2  }
0x107: {  	v3 =	vld [tilespmem:s24+$0x3C00]  }
0x108: {  	v2 =	vadd.f32 v56, v2  }
0x109: {  	v58 =	vld [tilespmem:s23+$0x5000]  }
0x10a: {  	v2 =	vadd.f32 v57, v2  }
0x10b: {  	v59 =	vld [tilespmem:s23+$0x5080]  }
0x10c: {  	v2 =	vadd.f32 v3, v2  }
0x10d: {  	v3 =	vld [tilespmem:s23+$0x5100]  }
0x10e: {  	v2 =	vadd.f32 v58, v2  }
0x10f: {  	v60 =	vld [tilespmem:s23+$0x5180]  }
0x110: {  	v2 =	vadd.f32 v59, v2  }
0x111: {  	v61 =	vld [tilespmem:s23+$0x5200]  }
0x112: {  	v2 =	vadd.f32 v3, v2  }
0x113: {  	v3 =	vld [tilespmem:s23+$0x5280]  }
0x114: {  	v2 =	vadd.f32 v60, v2  }
0x115: {  	v62 =	vld [tilespmem:s23+$0x5300]  }
0x116: {  	v63 =	vmov s22;
	v2 =	vadd.f32 v61, v2  }
0x117: {  	v6 =	vld [tilespmem:s23+$0x5380];
	v5 =	vshll.u32 v63, $0x7  }
0x118: {  	v2 =	vadd.f32 v3, v2;
	v3 =	vor.u32 v1, v5  }
0x119: {  	v3 =	vor.u32 $0x1, v3  }
0x11a: {  	v2 =	vadd.f32 v62, v2;
	_ =	sdelay $0x1  }
0x11b: {  	v2 =	vadd.f32 v6, v2  }
0x11c: {  	s21 =	sadd.s32 $0x1, s21  }
0x11d: {  	p0 =	sne.s32 s21, s12;
	[tilespmem:v3+s13+$0x0] =	vst.idx.msk $0xffff, v2  }
.Ltmp6:
0x11e: {  	[bflag:$0x0] =	sbarrier.arrive $0xFFFF;
	(pc) =	sbr.rel @p0 .LBB2_1-.Ltmp6, $4  }
0x11f: {  	[hbm4b:s11+s2] =	stream.linear.scatter [tilespmem:s13], [sflag:$0x2], $0x14000, $0x38;
	[tilespmem:$0x1CC00] =	vst v63  }
0x120: {  	_ =	swait.ge [sflag:s14], $0x14000  }
0x121: {  	[sflag:s14] =	ssyncset.done $0x0  }
0x122: {  	[sflag:s14] =	ssyncadd.s32 $0xFFFEC000  }
0x123: {  	_ =	sfence.sel $0x180000  }
0x124: {  	[bflag:$0x0] =	sbarrier.arrive $0xFFFF  }
0x125: {  	p0 =	sne.s32 s1, $0x0;
	_ =	strace $0x90000047  }
0x126: {  	s0 =	sadd.s32 @!p0 $0x100000, s0;
	[bflag:$0x2] =	sbarrier.arrive $0xFFFF  }
0x127: {  	[sflag:s0] =	ssyncadd.tile.s32 @!p0 $0x1;
	_ =	shalt  }
.Lfunc_end2:
_tile_overlayer_lowered:
.L_overlay_start_2:
0x128: {  	(tag) =	ssettag $0x2  }
0x129: {  	s0 =	rddreg [dreg:$0x0];
	s2 =	stileid.u32  }
0x12a: {  	s1 =	rddreg [dreg:$0x1];
	p0 =	sne.s32 s2, $0x0  }
0x12b: {  	s3 =	rddreg [dreg:$0x2];
	[bflag:$0x3] =	sbarrier.arrive $0xFFFF;
	s2 =	simm.s32 @!p0 $0x1C02  }
0x12c: {  	[timem:s3], [sflag:s2] =	dma.local @!p0 [hbm:s0], s1  }
0x12d: {  	s0 =	simm.s32 @!p0 $0x2  }
0x12e: {  	_ =	swait.ge @!p0 [sflag:s0], s1  }
0x12f: {  	s1 =	ssub.s32 @!p0 $0x0, s1;
	[sflag:s0] =	ssyncset.done @!p0 $0x0  }
0x130: {  	[sflag:s0] =	ssyncadd.s32 @!p0 s1  }
0x131: {  	[bflag:$0x3] =	sbarrier.arrive $0xFFFF  }
0x132: {  	_ =	shalt  }

</sc_bundles>
